<compile_context>
chip_gen: v7x
topology: tpu7x:2x2x1
jax: 0.10.2.dev20260603
libtpu: 0.0.44.dev20260713+nightly
codegen_flags: <defaults>
</compile_context>

<pallas_src>
import functools

import jax
import jax.numpy as jnp
from jax import lax
from jax.experimental import pallas as pl
from jax.experimental.pallas import tpu as pltpu
from jax.experimental.pallas import tpu_sc as plsc

_DIM = 64
_SZ = 2
_D = _SZ * _SZ * _DIM
_K = 8192
_N = 16384
_BLK = 256
_KC = 1024
_NKC = _K // _KC


def _vq_argmin_body(xf_ref, e_ref, ind_ref, dsum_ref):
    i = pl.program_id(0)
    x = xf_ref[...]
    x_sq = jnp.sum(x * x, axis=1, keepdims=True)
    xb = x.astype(jnp.bfloat16)
    best_val = jnp.full((_BLK, 1), jnp.inf, dtype=jnp.float32)
    best_idx = jnp.zeros((_BLK, 1), dtype=jnp.int32)
    for c in range(_NKC):
        e_c = e_ref[:, c * _KC:(c + 1) * _KC]
        m = lax.dot_general(xb, e_c, (((1,), (0,)), ((), ())),
                            preferred_element_type=jnp.float32)
        e_sq = jnp.sum(e_c * e_c, axis=0, keepdims=True)
        dist = x_sq - 2.0 * m + e_sq
        lmin = jnp.min(dist, axis=1, keepdims=True)
        cols = lax.broadcasted_iota(jnp.int32, (_BLK, _KC), 1)
        lidx = jnp.min(jnp.where(dist == lmin, cols, _K), axis=1,
                       keepdims=True) + c * _KC
        upd = lmin < best_val
        best_val = jnp.where(upd, lmin, best_val)
        best_idx = jnp.where(upd, lidx, best_idx)
    ind_ref[...] = best_idx

    @pl.when(i == 0)
    def _init():
        dsum_ref[0, 0] = 0.0

    dsum_ref[0, 0] += jnp.sum(best_val)


_vq_argmin = pl.pallas_call(
    _vq_argmin_body,
    grid=(_N // _BLK,),
    in_specs=[
        pl.BlockSpec((_BLK, _D), lambda i: (i, 0)),
        pl.BlockSpec((_D, _K), lambda i: (0, 0)),
    ],
    out_specs=[
        pl.BlockSpec((_BLK, 1), lambda i: (i, 0)),
        pl.BlockSpec(memory_space=pltpu.SMEM),
    ],
    out_shape=[
        jax.ShapeDtypeStruct((_N, 1), jnp.int32),
        jax.ShapeDtypeStruct((1, 1), jnp.float32),
    ],
    compiler_params=pltpu.CompilerParams(
        dimension_semantics=("arbitrary",)),
)


_NW = 32
_RPW = _N // _NW
_CH = 128
_NCHUNK = _RPW // _CH

@functools.cache
def _build_gather_codes():
    mesh = plsc.VectorSubcoreMesh(core_axis_name="c", subcore_axis_name="s")

    @functools.partial(
        pl.kernel,
        mesh=mesh,
        out_type=jax.ShapeDtypeStruct((_N, _D), jnp.float32),
        scratch_types=[
            pltpu.VMEM((_NCHUNK, _CH), jnp.int32),
            pltpu.VMEM((_CH, _D), jnp.float32),
            pltpu.VMEM((_CH, _D), jnp.float32),
            pltpu.SemaphoreType.DMA,
            pltpu.SemaphoreType.DMA,
        ],
    )
    def _gather_codes(table_hbm, idx_hbm, out_hbm,
                      idx_v, buf0, buf1, sem0, sem1):
        wid = lax.axis_index("s") * 2 + lax.axis_index("c")
        base = wid * _RPW
        pltpu.sync_copy(idx_hbm.at[pl.ds(wid * _NCHUNK, _NCHUNK)], idx_v)
        bufs = (buf0, buf1)
        sems = (sem0, sem1)
        prev = pltpu.async_copy(table_hbm.at[idx_v.at[0]], buf0, sem0)
        for c in range(1, _NCHUNK):
            nxt = pltpu.async_copy(table_hbm.at[idx_v.at[c]], bufs[c % 2],
                                   sems[c % 2])
            prev.wait()
            pltpu.sync_copy(bufs[(c - 1) % 2],
                            out_hbm.at[pl.ds(base + (c - 1) * _CH, _CH)])
            prev = nxt
        prev.wait()
        pltpu.sync_copy(bufs[(_NCHUNK - 1) % 2],
                        out_hbm.at[pl.ds(base + (_NCHUNK - 1) * _CH, _CH)])

    return _gather_codes



def kernel(x, embed):
    bs, hH, _, C = x.shape
    rH = hH // _SZ
    xr = x.reshape(bs, rH, _SZ, rH, _SZ, C).transpose(0, 1, 3, 2, 4, 5)
    flat = xr.reshape(_N, _D)
    e = embed.reshape(_D, _K)

    ind2, dsum = _vq_argmin(flat, e)
    ind = ind2.reshape(_N)

    codebook = jnp.transpose(embed, (3, 0, 1, 2)).reshape(_K, _D)
    quant = _build_gather_codes()(codebook, ind.reshape(_N // _CH, _CH))

    q = quant.reshape(bs, rH, rH, _SZ, _SZ, C)
    q = q.transpose(0, 1, 3, 2, 4, 5).reshape(bs, hH, hH, C)

    diff = dsum[0, 0] * jnp.float32(1.0 / (_N * _D))
    embed_ind = ind.reshape(bs, rH, rH)
    avg = jnp.float32(1.0 / _K)
    perplexity = jnp.exp(-avg * jnp.log(avg + 1e-10))
    return (q, diff, embed_ind, perplexity)

# --- scband reference (transcript-rebuilt; emitter-appended) ---
"""Pipeline reference for scband-quantize-35570919145657 (READ-ONLY COPY).

The authoritative reference and input builder live on the scoring server;
editing this copy changes nothing except your own understanding.
"""

import jax, jax.numpy as jnp
import numpy as np

DIM = 64
K = 8192
SIZE = 2

def setup_inputs(seed: int = 0) -> dict:
    key = jax.random.key(seed)
    k1, k2 = jax.random.split(key)
    x = jax.random.normal(k1, (64, 32, 32, DIM), dtype=jnp.float32)
    embed = jax.random.normal(k2, (SIZE, SIZE, DIM, K), dtype=jnp.float32) * 0.02
    return {"x": x, "embed": embed}

def reference(x, embed):
    bs, hH, _, C = x.shape
    size = SIZE
    dim = DIM
    real_hH = hH // size
    # view + transpose(2,3) as in torch
    xr = x.reshape(bs, real_hH, size, real_hH, size, C)
    xr = jnp.transpose(xr, (0, 1, 3, 2, 4, 5))
    flatten = xr.reshape(-1, size * size * dim)
    e = embed.reshape(-1, K)  # (size*size*dim, K)
    dist = (jnp.sum(flatten ** 2, axis=1, keepdims=True)
            - 2.0 * (flatten @ e)
            + jnp.sum(e ** 2, axis=0, keepdims=True))
    embed_ind = jnp.argmax(-dist, axis=1)
    embed_ind = embed_ind.reshape(xr.shape[:-3])  # (bs, real_hH, real_hH)
    # embed_code: F.embedding(embed_ind, embed.permute(3,0,1,2))
    codebook = jnp.transpose(embed, (3, 0, 1, 2))  # (K, size, size, dim)
    quantize = jnp.take(codebook, embed_ind, axis=0)  # (bs, rH, rH, size, size, dim)
    # avg_probs = one_hot(embed_ind, K).float().mean() computed without
    # materializing the [N,K] one-hot (mathematically identical: equals mean
    # over all N*K entries of the one-hot matrix)
    n_tok = embed_ind.size
    counts = jnp.bincount(embed_ind.reshape(-1), length=K).astype(jnp.float32)
    avg_probs = jnp.mean(counts / jnp.float32(n_tok))
    perplexity = jnp.exp(-jnp.sum(avg_probs * jnp.log(avg_probs + 1e-10)))
    diff = jnp.mean((jax.lax.stop_gradient(quantize) - xr) ** 2)
    q = xr + jax.lax.stop_gradient(quantize - xr)
    q = jnp.transpose(q, (0, 1, 3, 2, 4, 5)).reshape(bs, hH, hH, C)
    return (q, diff, embed_ind, perplexity)

if __name__ == "__main__":
    import jax
    _d = setup_inputs()
    print(jax.jit(kernel)(*tuple(_d.values())))

</pallas_src>

<mosaic_0001>
#map = affine_map<(d0, d1) -> (0, 0)>
module attributes {stable_mosaic.version = 14 : i64} {
  func.func @_gather_codes(%arg0: i32, %arg1: i32, %arg2: memref<8192x256xf32, #tpu.memory_space<hbm>>, %arg3: memref<128x128xi32, #tpu.memory_space<hbm>>, %arg4: memref<16384x256xf32, #tpu.memory_space<hbm>>, %arg5: memref<4x128xi32, #tpu.memory_space<vmem>>, %arg6: memref<128x256xf32, #tpu.memory_space<vmem>>, %arg7: memref<128x256xf32, #tpu.memory_space<vmem>>, %arg8: memref<!tpu.dma_semaphore, #tpu.memory_space<semaphore_mem>>, %arg9: memref<!tpu.dma_semaphore, #tpu.memory_space<semaphore_mem>>) attributes {dimension_semantics = [#tpu.dimension_semantics<core_parallel>, #tpu.dimension_semantics<subcore_parallel>], iteration_bounds = array<i64: 2, 16>, scalar_prefetch = 0 : i64, scratch_operands = 5 : i64, tpu.core_type = #tpu.core_type<sc_vector_subcore>, window_params = [{transform_indices = #map}, {transform_indices = #map}, {transform_indices = #map}]} {
    %mul3A = arith.constant 2 : i32
    %mul3A_0 = arith.muli %arg1, %mul3A : i32
    %add3A = arith.addi %mul3A_0, %arg0 : i32
    %mul3A_1 = arith.constant 512 : i32
    %mul3A_2 = arith.muli %add3A, %mul3A_1 : i32
    %mul3A_3 = arith.constant 4 : i32
    %mul3A_4 = arith.muli %add3A, %mul3A_3 : i32
    "tpu.region"() ({
      %run_scoped3A = tpu.sem_alloc : memref<!tpu.dma_semaphore, #tpu.memory_space<semaphore_mem>>
      %dma_start3A_67 = arith.constant 0 : i32
      %dma_start3A_68 = tpu.memref_slice %arg3[%mul3A_4, %dma_start3A_67] : memref<128x128xi32, #tpu.memory_space<hbm>> -> memref<4x128xi32, #tpu.memory_space<hbm>>
      %dma_start3A_69 = arith.constant 0 : i32
      %dma_start3A_70 = tpu.memref_slice %arg3[%mul3A_4, %dma_start3A_69] : memref<128x128xi32, #tpu.memory_space<hbm>> -> memref<4x128xi32, #tpu.memory_space<hbm>>
      tpu.enqueue_dma source(%dma_start3A_70 : memref<4x128xi32, #tpu.memory_space<hbm>>) target(%arg5 : memref<4x128xi32, #tpu.memory_space<vmem>>) target_semaphore(%run_scoped3A : memref<!tpu.dma_semaphore, #tpu.memory_space<semaphore_mem>>)
      %dma_wait3A_71 = arith.constant 0 : i32
      %dma_wait3A_72 = tpu.memref_slice %arg3[%mul3A_4, %dma_wait3A_71] : memref<128x128xi32, #tpu.memory_space<hbm>> -> memref<4x128xi32, #tpu.memory_space<hbm>>
      %dma_wait3A_73 = arith.constant 0 : i32
      %dma_wait3A_74 = tpu.memref_slice %arg3[%mul3A_4, %dma_wait3A_73] : memref<128x128xi32, #tpu.memory_space<hbm>> -> memref<4x128xi32, #tpu.memory_space<hbm>>
      tpu.wait_dma2 semaphore(%run_scoped3A : memref<!tpu.dma_semaphore, #tpu.memory_space<semaphore_mem>>) src(%dma_wait3A_74 : memref<4x128xi32, #tpu.memory_space<hbm>>) dst(%arg5 : memref<4x128xi32, #tpu.memory_space<vmem>>)
      tpu.yield
    }) : () -> ()
    %dma_start3A = arith.constant 0 : i32
    %dma_start3A_5 = arith.constant 0 : i32
    %dma_start3A_6 = tpu.memref_slice %arg5[%dma_start3A, %dma_start3A_5] : memref<4x128xi32, #tpu.memory_space<vmem>> -> memref<1x128xi32, #tpu.memory_space<vmem>>
    %dma_start3A_7 = tpu.memref_squeeze %dma_start3A_6 : memref<1x128xi32, #tpu.memory_space<vmem>> -> memref<128xi32, #tpu.memory_space<vmem>>
    %dma_start3A_8 = arith.constant 0 : i32
    %dma_start3A_9 = arith.constant 0 : i32
    %dma_start3A_10 = tpu.memref_slice %arg2[%dma_start3A_8, %dma_start3A_9] : memref<8192x256xf32, #tpu.memory_space<hbm>> -> memref<8192x256xf32, #tpu.memory_space<hbm>>
    tpu.enqueue_indirect_dma source(%dma_start3A_10 : memref<8192x256xf32, #tpu.memory_space<hbm>>) target(%arg6 : memref<128x256xf32, #tpu.memory_space<vmem>>) offsets(%dma_start3A_7 : memref<128xi32, #tpu.memory_space<vmem>>) semaphore(%arg8 : memref<!tpu.dma_semaphore, #tpu.memory_space<semaphore_mem>>)
    %dma_start3A_11 = arith.constant 1 : i32
    %dma_start3A_12 = arith.constant 0 : i32
    %dma_start3A_13 = tpu.memref_slice %arg5[%dma_start3A_11, %dma_start3A_12] : memref<4x128xi32, #tpu.memory_space<vmem>> -> memref<1x128xi32, #tpu.memory_space<vmem>>
    %dma_start3A_14 = tpu.memref_squeeze %dma_start3A_13 : memref<1x128xi32, #tpu.memory_space<vmem>> -> memref<128xi32, #tpu.memory_space<vmem>>
    %dma_start3A_15 = arith.constant 0 : i32
    %dma_start3A_16 = arith.constant 0 : i32
    %dma_start3A_17 = tpu.memref_slice %arg2[%dma_start3A_15, %dma_start3A_16] : memref<8192x256xf32, #tpu.memory_space<hbm>> -> memref<8192x256xf32, #tpu.memory_space<hbm>>
    tpu.enqueue_indirect_dma source(%dma_start3A_17 : memref<8192x256xf32, #tpu.memory_space<hbm>>) target(%arg7 : memref<128x256xf32, #tpu.memory_space<vmem>>) offsets(%dma_start3A_14 : memref<128xi32, #tpu.memory_space<vmem>>) semaphore(%arg9 : memref<!tpu.dma_semaphore, #tpu.memory_space<semaphore_mem>>)
    %dma_wait3A = arith.constant 0 : i32
    %dma_wait3A_18 = arith.constant 0 : i32
    %dma_wait3A_19 = tpu.memref_slice %arg5[%dma_wait3A, %dma_wait3A_18] : memref<4x128xi32, #tpu.memory_space<vmem>> -> memref<1x128xi32, #tpu.memory_space<vmem>>
    %dma_wait3A_20 = tpu.memref_squeeze %dma_wait3A_19 : memref<1x128xi32, #tpu.memory_space<vmem>> -> memref<128xi32, #tpu.memory_space<vmem>>
    %dma_wait3A_21 = arith.constant 0 : i32
    %dma_wait3A_22 = arith.constant 0 : i32
    %dma_wait3A_23 = tpu.memref_slice %arg2[%dma_wait3A_21, %dma_wait3A_22] : memref<8192x256xf32, #tpu.memory_space<hbm>> -> memref<8192x256xf32, #tpu.memory_space<hbm>>
    tpu.wait_indirect_dma semaphore(%arg8 : memref<!tpu.dma_semaphore, #tpu.memory_space<semaphore_mem>>) src(%dma_wait3A_23 : memref<8192x256xf32, #tpu.memory_space<hbm>>) dst(%arg6 : memref<128x256xf32, #tpu.memory_space<vmem>>)
    %add3A_24 = arith.constant 0 : i32
    %add3A_25 = arith.addi %mul3A_2, %add3A_24 : i32
    "tpu.region"() ({
      %run_scoped3A = tpu.sem_alloc : memref<!tpu.dma_semaphore, #tpu.memory_space<semaphore_mem>>
      %dma_start3A_67 = arith.constant 0 : i32
      %dma_start3A_68 = tpu.memref_slice %arg4[%add3A_25, %dma_start3A_67] : memref<16384x256xf32, #tpu.memory_space<hbm>> -> memref<128x256xf32, #tpu.memory_space<hbm>>
      %dma_start3A_69 = arith.constant 0 : i32
      %dma_start3A_70 = tpu.memref_slice %arg4[%add3A_25, %dma_start3A_69] : memref<16384x256xf32, #tpu.memory_space<hbm>> -> memref<128x256xf32, #tpu.memory_space<hbm>>
      tpu.enqueue_dma source(%arg6 : memref<128x256xf32, #tpu.memory_space<vmem>>) target(%dma_start3A_70 : memref<128x256xf32, #tpu.memory_space<hbm>>) target_semaphore(%run_scoped3A : memref<!tpu.dma_semaphore, #tpu.memory_space<semaphore_mem>>)
      %dma_wait3A_71 = arith.constant 0 : i32
      %dma_wait3A_72 = tpu.memref_slice %arg4[%add3A_25, %dma_wait3A_71] : memref<16384x256xf32, #tpu.memory_space<hbm>> -> memref<128x256xf32, #tpu.memory_space<hbm>>
      %dma_wait3A_73 = arith.constant 0 : i32
      %dma_wait3A_74 = tpu.memref_slice %arg4[%add3A_25, %dma_wait3A_73] : memref<16384x256xf32, #tpu.memory_space<hbm>> -> memref<128x256xf32, #tpu.memory_space<hbm>>
      tpu.wait_dma2 semaphore(%run_scoped3A : memref<!tpu.dma_semaphore, #tpu.memory_space<semaphore_mem>>) src(%arg6 : memref<128x256xf32, #tpu.memory_space<vmem>>) dst(%dma_wait3A_74 : memref<128x256xf32, #tpu.memory_space<hbm>>)
      tpu.yield
    }) : () -> ()
    %dma_start3A_26 = arith.constant 2 : i32
    %dma_start3A_27 = arith.constant 0 : i32
    %dma_start3A_28 = tpu.memref_slice %arg5[%dma_start3A_26, %dma_start3A_27] : memref<4x128xi32, #tpu.memory_space<vmem>> -> memref<1x128xi32, #tpu.memory_space<vmem>>
    %dma_start3A_29 = tpu.memref_squeeze %dma_start3A_28 : memref<1x128xi32, #tpu.memory_space<vmem>> -> memref<128xi32, #tpu.memory_space<vmem>>
    %dma_start3A_30 = arith.constant 0 : i32
    %dma_start3A_31 = arith.constant 0 : i32
    %dma_start3A_32 = tpu.memref_slice %arg2[%dma_start3A_30, %dma_start3A_31] : memref<8192x256xf32, #tpu.memory_space<hbm>> -> memref<8192x256xf32, #tpu.memory_space<hbm>>
    tpu.enqueue_indirect_dma source(%dma_start3A_32 : memref<8192x256xf32, #tpu.memory_space<hbm>>) target(%arg6 : memref<128x256xf32, #tpu.memory_space<vmem>>) offsets(%dma_start3A_29 : memref<128xi32, #tpu.memory_space<vmem>>) semaphore(%arg8 : memref<!tpu.dma_semaphore, #tpu.memory_space<semaphore_mem>>)
    %dma_wait3A_33 = arith.constant 1 : i32
    %dma_wait3A_34 = arith.constant 0 : i32
    %dma_wait3A_35 = tpu.memref_slice %arg5[%dma_wait3A_33, %dma_wait3A_34] : memref<4x128xi32, #tpu.memory_space<vmem>> -> memref<1x128xi32, #tpu.memory_space<vmem>>
    %dma_wait3A_36 = tpu.memref_squeeze %dma_wait3A_35 : memref<1x128xi32, #tpu.memory_space<vmem>> -> memref<128xi32, #tpu.memory_space<vmem>>
    %dma_wait3A_37 = arith.constant 0 : i32
    %dma_wait3A_38 = arith.constant 0 : i32
    %dma_wait3A_39 = tpu.memref_slice %arg2[%dma_wait3A_37, %dma_wait3A_38] : memref<8192x256xf32, #tpu.memory_space<hbm>> -> memref<8192x256xf32, #tpu.memory_space<hbm>>
    tpu.wait_indirect_dma semaphore(%arg9 : memref<!tpu.dma_semaphore, #tpu.memory_space<semaphore_mem>>) src(%dma_wait3A_39 : memref<8192x256xf32, #tpu.memory_space<hbm>>) dst(%arg7 : memref<128x256xf32, #tpu.memory_space<vmem>>)
    %add3A_40 = arith.constant 128 : i32
    %add3A_41 = arith.addi %mul3A_2, %add3A_40 : i32
    "tpu.region"() ({
      %run_scoped3A = tpu.sem_alloc : memref<!tpu.dma_semaphore, #tpu.memory_space<semaphore_mem>>
      %dma_start3A_67 = arith.constant 0 : i32
      %dma_start3A_68 = tpu.memref_slice %arg4[%add3A_41, %dma_start3A_67] : memref<16384x256xf32, #tpu.memory_space<hbm>> -> memref<128x256xf32, #tpu.memory_space<hbm>>
      %dma_start3A_69 = arith.constant 0 : i32
      %dma_start3A_70 = tpu.memref_slice %arg4[%add3A_41, %dma_start3A_69] : memref<16384x256xf32, #tpu.memory_space<hbm>> -> memref<128x256xf32, #tpu.memory_space<hbm>>
      tpu.enqueue_dma source(%arg7 : memref<128x256xf32, #tpu.memory_space<vmem>>) target(%dma_start3A_70 : memref<128x256xf32, #tpu.memory_space<hbm>>) target_semaphore(%run_scoped3A : memref<!tpu.dma_semaphore, #tpu.memory_space<semaphore_mem>>)
      %dma_wait3A_71 = arith.constant 0 : i32
      %dma_wait3A_72 = tpu.memref_slice %arg4[%add3A_41, %dma_wait3A_71] : memref<16384x256xf32, #tpu.memory_space<hbm>> -> memref<128x256xf32, #tpu.memory_space<hbm>>
      %dma_wait3A_73 = arith.constant 0 : i32
      %dma_wait3A_74 = tpu.memref_slice %arg4[%add3A_41, %dma_wait3A_73] : memref<16384x256xf32, #tpu.memory_space<hbm>> -> memref<128x256xf32, #tpu.memory_space<hbm>>
      tpu.wait_dma2 semaphore(%run_scoped3A : memref<!tpu.dma_semaphore, #tpu.memory_space<semaphore_mem>>) src(%arg7 : memref<128x256xf32, #tpu.memory_space<vmem>>) dst(%dma_wait3A_74 : memref<128x256xf32, #tpu.memory_space<hbm>>)
      tpu.yield
    }) : () -> ()
    %dma_start3A_42 = arith.constant 3 : i32
    %dma_start3A_43 = arith.constant 0 : i32
    %dma_start3A_44 = tpu.memref_slice %arg5[%dma_start3A_42, %dma_start3A_43] : memref<4x128xi32, #tpu.memory_space<vmem>> -> memref<1x128xi32, #tpu.memory_space<vmem>>
    %dma_start3A_45 = tpu.memref_squeeze %dma_start3A_44 : memref<1x128xi32, #tpu.memory_space<vmem>> -> memref<128xi32, #tpu.memory_space<vmem>>
    %dma_start3A_46 = arith.constant 0 : i32
    %dma_start3A_47 = arith.constant 0 : i32
    %dma_start3A_48 = tpu.memref_slice %arg2[%dma_start3A_46, %dma_start3A_47] : memref<8192x256xf32, #tpu.memory_space<hbm>> -> memref<8192x256xf32, #tpu.memory_space<hbm>>
    tpu.enqueue_indirect_dma source(%dma_start3A_48 : memref<8192x256xf32, #tpu.memory_space<hbm>>) target(%arg7 : memref<128x256xf32, #tpu.memory_space<vmem>>) offsets(%dma_start3A_45 : memref<128xi32, #tpu.memory_space<vmem>>) semaphore(%arg9 : memref<!tpu.dma_semaphore, #tpu.memory_space<semaphore_mem>>)
    %dma_wait3A_49 = arith.constant 2 : i32
    %dma_wait3A_50 = arith.constant 0 : i32
    %dma_wait3A_51 = tpu.memref_slice %arg5[%dma_wait3A_49, %dma_wait3A_50] : memref<4x128xi32, #tpu.memory_space<vmem>> -> memref<1x128xi32, #tpu.memory_space<vmem>>
    %dma_wait3A_52 = tpu.memref_squeeze %dma_wait3A_51 : memref<1x128xi32, #tpu.memory_space<vmem>> -> memref<128xi32, #tpu.memory_space<vmem>>
    %dma_wait3A_53 = arith.constant 0 : i32
    %dma_wait3A_54 = arith.constant 0 : i32
    %dma_wait3A_55 = tpu.memref_slice %arg2[%dma_wait3A_53, %dma_wait3A_54] : memref<8192x256xf32, #tpu.memory_space<hbm>> -> memref<8192x256xf32, #tpu.memory_space<hbm>>
    tpu.wait_indirect_dma semaphore(%arg8 : memref<!tpu.dma_semaphore, #tpu.memory_space<semaphore_mem>>) src(%dma_wait3A_55 : memref<8192x256xf32, #tpu.memory_space<hbm>>) dst(%arg6 : memref<128x256xf32, #tpu.memory_space<vmem>>)
    %add3A_56 = arith.constant 256 : i32
    %add3A_57 = arith.addi %mul3A_2, %add3A_56 : i32
    "tpu.region"() ({
      %run_scoped3A = tpu.sem_alloc : memref<!tpu.dma_semaphore, #tpu.memory_space<semaphore_mem>>
      %dma_start3A_67 = arith.constant 0 : i32
      %dma_start3A_68 = tpu.memref_slice %arg4[%add3A_57, %dma_start3A_67] : memref<16384x256xf32, #tpu.memory_space<hbm>> -> memref<128x256xf32, #tpu.memory_space<hbm>>
      %dma_start3A_69 = arith.constant 0 : i32
      %dma_start3A_70 = tpu.memref_slice %arg4[%add3A_57, %dma_start3A_69] : memref<16384x256xf32, #tpu.memory_space<hbm>> -> memref<128x256xf32, #tpu.memory_space<hbm>>
      tpu.enqueue_dma source(%arg6 : memref<128x256xf32, #tpu.memory_space<vmem>>) target(%dma_start3A_70 : memref<128x256xf32, #tpu.memory_space<hbm>>) target_semaphore(%run_scoped3A : memref<!tpu.dma_semaphore, #tpu.memory_space<semaphore_mem>>)
      %dma_wait3A_71 = arith.constant 0 : i32
      %dma_wait3A_72 = tpu.memref_slice %arg4[%add3A_57, %dma_wait3A_71] : memref<16384x256xf32, #tpu.memory_space<hbm>> -> memref<128x256xf32, #tpu.memory_space<hbm>>
      %dma_wait3A_73 = arith.constant 0 : i32
      %dma_wait3A_74 = tpu.memref_slice %arg4[%add3A_57, %dma_wait3A_73] : memref<16384x256xf32, #tpu.memory_space<hbm>> -> memref<128x256xf32, #tpu.memory_space<hbm>>
      tpu.wait_dma2 semaphore(%run_scoped3A : memref<!tpu.dma_semaphore, #tpu.memory_space<semaphore_mem>>) src(%arg6 : memref<128x256xf32, #tpu.memory_space<vmem>>) dst(%dma_wait3A_74 : memref<128x256xf32, #tpu.memory_space<hbm>>)
      tpu.yield
    }) : () -> ()
    %dma_wait3A_58 = arith.constant 3 : i32
    %dma_wait3A_59 = arith.constant 0 : i32
    %dma_wait3A_60 = tpu.memref_slice %arg5[%dma_wait3A_58, %dma_wait3A_59] : memref<4x128xi32, #tpu.memory_space<vmem>> -> memref<1x128xi32, #tpu.memory_space<vmem>>
    %dma_wait3A_61 = tpu.memref_squeeze %dma_wait3A_60 : memref<1x128xi32, #tpu.memory_space<vmem>> -> memref<128xi32, #tpu.memory_space<vmem>>
    %dma_wait3A_62 = arith.constant 0 : i32
    %dma_wait3A_63 = arith.constant 0 : i32
    %dma_wait3A_64 = tpu.memref_slice %arg2[%dma_wait3A_62, %dma_wait3A_63] : memref<8192x256xf32, #tpu.memory_space<hbm>> -> memref<8192x256xf32, #tpu.memory_space<hbm>>
    tpu.wait_indirect_dma semaphore(%arg9 : memref<!tpu.dma_semaphore, #tpu.memory_space<semaphore_mem>>) src(%dma_wait3A_64 : memref<8192x256xf32, #tpu.memory_space<hbm>>) dst(%arg7 : memref<128x256xf32, #tpu.memory_space<vmem>>)
    %add3A_65 = arith.constant 384 : i32
    %add3A_66 = arith.addi %mul3A_2, %add3A_65 : i32
    "tpu.region"() ({
      %run_scoped3A = tpu.sem_alloc : memref<!tpu.dma_semaphore, #tpu.memory_space<semaphore_mem>>
      %dma_start3A_67 = arith.constant 0 : i32
      %dma_start3A_68 = tpu.memref_slice %arg4[%add3A_66, %dma_start3A_67] : memref<16384x256xf32, #tpu.memory_space<hbm>> -> memref<128x256xf32, #tpu.memory_space<hbm>>
      %dma_start3A_69 = arith.constant 0 : i32
      %dma_start3A_70 = tpu.memref_slice %arg4[%add3A_66, %dma_start3A_69] : memref<16384x256xf32, #tpu.memory_space<hbm>> -> memref<128x256xf32, #tpu.memory_space<hbm>>
      tpu.enqueue_dma source(%arg7 : memref<128x256xf32, #tpu.memory_space<vmem>>) target(%dma_start3A_70 : memref<128x256xf32, #tpu.memory_space<hbm>>) target_semaphore(%run_scoped3A : memref<!tpu.dma_semaphore, #tpu.memory_space<semaphore_mem>>)
      %dma_wait3A_71 = arith.constant 0 : i32
      %dma_wait3A_72 = tpu.memref_slice %arg4[%add3A_66, %dma_wait3A_71] : memref<16384x256xf32, #tpu.memory_space<hbm>> -> memref<128x256xf32, #tpu.memory_space<hbm>>
      %dma_wait3A_73 = arith.constant 0 : i32
      %dma_wait3A_74 = tpu.memref_slice %arg4[%add3A_66, %dma_wait3A_73] : memref<16384x256xf32, #tpu.memory_space<hbm>> -> memref<128x256xf32, #tpu.memory_space<hbm>>
      tpu.wait_dma2 semaphore(%run_scoped3A : memref<!tpu.dma_semaphore, #tpu.memory_space<semaphore_mem>>) src(%arg7 : memref<128x256xf32, #tpu.memory_space<vmem>>) dst(%dma_wait3A_74 : memref<128x256xf32, #tpu.memory_space<hbm>>)
      tpu.yield
    }) : () -> ()
    return
  }
}

module attributes {stable_mosaic.version = 14 : i64} {
  func.func @_vq_argmin_body(%arg0: i32, %arg1: memref<256x256xf32, #tpu.memory_space<vmem>>, %arg2: memref<256x8192xf32, #tpu.memory_space<vmem>>, %arg3: memref<256x1xi32, #tpu.memory_space<vmem>>, %arg4: memref<1x1xf32, #tpu.memory_space<smem>>) attributes {dimension_semantics = [#tpu.dimension_semantics<arbitrary>], iteration_bounds = array<i64: 64>, scalar_prefetch = 0 : i64, scratch_operands = 0 : i64, tpu.core_type = #tpu.core_type<tc>, window_params = [{transform_indices = @transform_0, window_bounds = array<i64: 256, 256>}, {pipeline_mode = #tpu.pipeline_mode<synchronous>, transform_indices = @transform_1, window_bounds = array<i64: 256, 8192>}, {transform_indices = @transform_2, window_bounds = array<i64: 256, 1>}, {transform_indices = @transform_3, window_bounds = array<i64: 1, 1>}]} {
    %get3A = arith.constant 0 : index
    %get3A_0 = arith.constant 0 : index
    %get3A_1 = vector.load %arg1[%get3A, %get3A_0] : memref<256x256xf32, #tpu.memory_space<vmem>>, vector<256x256xf32>
    %mul3A = arith.mulf %get3A_1, %get3A_1 : vector<256x256xf32>
    %reduce_sum3A = arith.constant dense<0.000000e+00> : vector<256xf32>
    %reduce_sum3A_2 = vector.multi_reduction <add>, %mul3A, %reduce_sum3A [1] : vector<256x256xf32> to vector<256xf32>
    %broadcast_in_dim3A = vector.shape_cast %reduce_sum3A_2 : vector<256xf32> to vector<256x1xf32>
    %convert_element_type3A = arith.truncf %get3A_1 : vector<256x256xf32> to vector<256x256xbf16>
    %broadcast_in_dim3A_3 = arith.constant 0x7F800000 : f32
    %broadcast_in_dim3A_4 = vector.broadcast %broadcast_in_dim3A_3 : f32 to vector<256x1xf32>
    %broadcast_in_dim3A_5 = arith.constant 0 : i32
    %broadcast_in_dim3A_6 = vector.broadcast %broadcast_in_dim3A_5 : i32 to vector<256x1xi32>
    %get3A_7 = arith.constant 0 : index
    %get3A_8 = arith.constant 0 : index
    %get3A_9 = vector.load %arg2[%get3A_7, %get3A_8] : memref<256x8192xf32, #tpu.memory_space<vmem>>, vector<256x1024xf32>
    %dot_general3A = arith.constant dense<0.000000e+00> : vector<256x1024xf32>
    %dot_general3A_10 = tpu.matmul %convert_element_type3A, %get3A_9, %dot_general3A {dimension_numbers = #tpu.dot_dimension_numbers<[1], [0], [0], [1], [0, 0, 1, 1], [], []>, transpose_lhs_hint = false} : vector<256x256xbf16>, vector<256x1024xf32>, vector<256x1024xf32> -> vector<256x1024xf32>
    %mul3A_11 = arith.mulf %get3A_9, %get3A_9 : vector<256x1024xf32>
    %reduce_sum3A_12 = arith.constant dense<0.000000e+00> : vector<1024xf32>
    %reduce_sum3A_13 = vector.multi_reduction <add>, %mul3A_11, %reduce_sum3A_12 [0] : vector<256x1024xf32> to vector<1024xf32>
    %broadcast_in_dim3A_14 = vector.shape_cast %reduce_sum3A_13 : vector<1024xf32> to vector<1x1024xf32>
    %mul3A_15 = arith.constant 2.000000e+00 : f32
    %mul3A_16 = vector.broadcast %mul3A_15 : f32 to vector<256x1024xf32>
    %mul3A_17 = arith.mulf %mul3A_16, %dot_general3A_10 : vector<256x1024xf32>
    %sub3A = vector.broadcast %broadcast_in_dim3A : vector<256x1xf32> to vector<256x1024xf32>
    %sub3A_18 = arith.subf %sub3A, %mul3A_17 : vector<256x1024xf32>
    %add3A = vector.broadcast %broadcast_in_dim3A_14 : vector<1x1024xf32> to vector<256x1024xf32>
    %add3A_19 = arith.addf %sub3A_18, %add3A : vector<256x1024xf32>
    %reduce_min3A = arith.constant dense<0x7F800000> : vector<256xf32>
    %reduce_min3A_20 = vector.multi_reduction <minimumf>, %add3A_19, %reduce_min3A [1] : vector<256x1024xf32> to vector<256xf32>
    %broadcast_in_dim3A_21 = vector.shape_cast %reduce_min3A_20 : vector<256xf32> to vector<256x1xf32>
    %iota3A = tpu.iota {dimensions = array<i32: 1>} : vector<256x1024xi32>
    %eq3A = vector.broadcast %broadcast_in_dim3A_21 : vector<256x1xf32> to vector<256x1024xf32>
    %eq3A_22 = arith.cmpf oeq, %add3A_19, %eq3A : vector<256x1024xf32>
    %jit3A = arith.constant 8192 : i32
    %broadcast_in_dim3A_23 = vector.broadcast %jit3A : i32 to vector<256x1024xi32>
    %select_n3A = arith.select %eq3A_22, %iota3A, %broadcast_in_dim3A_23 : vector<256x1024xi1>, vector<256x1024xi32>
    %reduce_min3A_24 = arith.constant dense<2147483647> : vector<256xi32>
    %reduce_min3A_25 = vector.multi_reduction <minsi>, %select_n3A, %reduce_min3A_24 [1] : vector<256x1024xi32> to vector<256xi32>
    %broadcast_in_dim3A_26 = vector.shape_cast %reduce_min3A_25 : vector<256xi32> to vector<256x1xi32>
    %add3A_27 = arith.constant 0 : i32
    %add3A_28 = vector.broadcast %add3A_27 : i32 to vector<256x1xi32>
    %add3A_29 = arith.addi %broadcast_in_dim3A_26, %add3A_28 : vector<256x1xi32>
    %lt3A = arith.cmpf olt, %broadcast_in_dim3A_21, %broadcast_in_dim3A_4 : vector<256x1xf32>
    %select_n3A_30 = arith.select %lt3A, %broadcast_in_dim3A_21, %broadcast_in_dim3A_4 : vector<256x1xi1>, vector<256x1xf32>
    %select_n3A_31 = arith.select %lt3A, %add3A_29, %broadcast_in_dim3A_6 : vector<256x1xi1>, vector<256x1xi32>
    %get3A_32 = arith.constant 0 : index
    %get3A_33 = arith.constant 1024 : index
    %get3A_34 = vector.load %arg2[%get3A_32, %get3A_33] : memref<256x8192xf32, #tpu.memory_space<vmem>>, vector<256x1024xf32>
    %dot_general3A_35 = arith.constant dense<0.000000e+00> : vector<256x1024xf32>
    %dot_general3A_36 = tpu.matmul %convert_element_type3A, %get3A_34, %dot_general3A_35 {dimension_numbers = #tpu.dot_dimension_numbers<[1], [0], [0], [1], [0, 0, 1, 1], [], []>, transpose_lhs_hint = false} : vector<256x256xbf16>, vector<256x1024xf32>, vector<256x1024xf32> -> vector<256x1024xf32>
    %mul3A_37 = arith.mulf %get3A_34, %get3A_34 : vector<256x1024xf32>
    %reduce_sum3A_38 = arith.constant dense<0.000000e+00> : vector<1024xf32>
    %reduce_sum3A_39 = vector.multi_reduction <add>, %mul3A_37, %reduce_sum3A_38 [0] : vector<256x1024xf32> to vector<1024xf32>
    %broadcast_in_dim3A_40 = vector.shape_cast %reduce_sum3A_39 : vector<1024xf32> to vector<1x1024xf32>
    %mul3A_41 = arith.constant 2.000000e+00 : f32
    %mul3A_42 = vector.broadcast %mul3A_41 : f32 to vector<256x1024xf32>
    %mul3A_43 = arith.mulf %mul3A_42, %dot_general3A_36 : vector<256x1024xf32>
    %sub3A_44 = vector.broadcast %broadcast_in_dim3A : vector<256x1xf32> to vector<256x1024xf32>
    %sub3A_45 = arith.subf %sub3A_44, %mul3A_43 : vector<256x1024xf32>
    %add3A_46 = vector.broadcast %broadcast_in_dim3A_40 : vector<1x1024xf32> to vector<256x1024xf32>
    %add3A_47 = arith.addf %sub3A_45, %add3A_46 : vector<256x1024xf32>
    %reduce_min3A_48 = arith.constant dense<0x7F800000> : vector<256xf32>
    %reduce_min3A_49 = vector.multi_reduction <minimumf>, %add3A_47, %reduce_min3A_48 [1] : vector<256x1024xf32> to vector<256xf32>
    %broadcast_in_dim3A_50 = vector.shape_cast %reduce_min3A_49 : vector<256xf32> to vector<256x1xf32>
    %iota3A_51 = tpu.iota {dimensions = array<i32: 1>} : vector<256x1024xi32>
    %eq3A_52 = vector.broadcast %broadcast_in_dim3A_50 : vector<256x1xf32> to vector<256x1024xf32>
    %eq3A_53 = arith.cmpf oeq, %add3A_47, %eq3A_52 : vector<256x1024xf32>
    %jit3A_54 = arith.constant 8192 : i32
    %broadcast_in_dim3A_55 = vector.broadcast %jit3A_54 : i32 to vector<256x1024xi32>
    %select_n3A_56 = arith.select %eq3A_53, %iota3A_51, %broadcast_in_dim3A_55 : vector<256x1024xi1>, vector<256x1024xi32>
    %reduce_min3A_57 = arith.constant dense<2147483647> : vector<256xi32>
    %reduce_min3A_58 = vector.multi_reduction <minsi>, %select_n3A_56, %reduce_min3A_57 [1] : vector<256x1024xi32> to vector<256xi32>
    %broadcast_in_dim3A_59 = vector.shape_cast %reduce_min3A_58 : vector<256xi32> to vector<256x1xi32>
    %add3A_60 = arith.constant 1024 : i32
    %add3A_61 = vector.broadcast %add3A_60 : i32 to vector<256x1xi32>
    %add3A_62 = arith.addi %broadcast_in_dim3A_59, %add3A_61 : vector<256x1xi32>
    %lt3A_63 = arith.cmpf olt, %broadcast_in_dim3A_50, %select_n3A_30 : vector<256x1xf32>
    %select_n3A_64 = arith.select %lt3A_63, %broadcast_in_dim3A_50, %select_n3A_30 : vector<256x1xi1>, vector<256x1xf32>
    %select_n3A_65 = arith.select %lt3A_63, %add3A_62, %select_n3A_31 : vector<256x1xi1>, vector<256x1xi32>
    %get3A_66 = arith.constant 0 : index
    %get3A_67 = arith.constant 2048 : index
    %get3A_68 = vector.load %arg2[%get3A_66, %get3A_67] : memref<256x8192xf32, #tpu.memory_space<vmem>>, vector<256x1024xf32>
    %dot_general3A_69 = arith.constant dense<0.000000e+00> : vector<256x1024xf32>
    %dot_general3A_70 = tpu.matmul %convert_element_type3A, %get3A_68, %dot_general3A_69 {dimension_numbers = #tpu.dot_dimension_numbers<[1], [0], [0], [1], [0, 0, 1, 1], [], []>, transpose_lhs_hint = false} : vector<256x256xbf16>, vector<256x1024xf32>, vector<256x1024xf32> -> vector<256x1024xf32>
    %mul3A_71 = arith.mulf %get3A_68, %get3A_68 : vector<256x1024xf32>
    %reduce_sum3A_72 = arith.constant dense<0.000000e+00> : vector<1024xf32>
    %reduce_sum3A_73 = vector.multi_reduction <add>, %mul3A_71, %reduce_sum3A_72 [0] : vector<256x1024xf32> to vector<1024xf32>
    %broadcast_in_dim3A_74 = vector.shape_cast %reduce_sum3A_73 : vector<1024xf32> to vector<1x1024xf32>
    %mul3A_75 = arith.constant 2.000000e+00 : f32
    %mul3A_76 = vector.broadcast %mul3A_75 : f32 to vector<256x1024xf32>
    %mul3A_77 = arith.mulf %mul3A_76, %dot_general3A_70 : vector<256x1024xf32>
    %sub3A_78 = vector.broadcast %broadcast_in_dim3A : vector<256x1xf32> to vector<256x1024xf32>
    %sub3A_79 = arith.subf %sub3A_78, %mul3A_77 : vector<256x1024xf32>
    %add3A_80 = vector.broadcast %broadcast_in_dim3A_74 : vector<1x1024xf32> to vector<256x1024xf32>
    %add3A_81 = arith.addf %sub3A_79, %add3A_80 : vector<256x1024xf32>
    %reduce_min3A_82 = arith.constant dense<0x7F800000> : vector<256xf32>
    %reduce_min3A_83 = vector.multi_reduction <minimumf>, %add3A_81, %reduce_min3A_82 [1] : vector<256x1024xf32> to vector<256xf32>
    %broadcast_in_dim3A_84 = vector.shape_cast %reduce_min3A_83 : vector<256xf32> to vector<256x1xf32>
    %iota3A_85 = tpu.iota {dimensions = array<i32: 1>} : vector<256x1024xi32>
    %eq3A_86 = vector.broadcast %broadcast_in_dim3A_84 : vector<256x1xf32> to vector<256x1024xf32>
    %eq3A_87 = arith.cmpf oeq, %add3A_81, %eq3A_86 : vector<256x1024xf32>
    %jit3A_88 = arith.constant 8192 : i32
    %broadcast_in_dim3A_89 = vector.broadcast %jit3A_88 : i32 to vector<256x1024xi32>
    %select_n3A_90 = arith.select %eq3A_87, %iota3A_85, %broadcast_in_dim3A_89 : vector<256x1024xi1>, vector<256x1024xi32>
    %reduce_min3A_91 = arith.constant dense<2147483647> : vector<256xi32>
    %reduce_min3A_92 = vector.multi_reduction <minsi>, %select_n3A_90, %reduce_min3A_91 [1] : vector<256x1024xi32> to vector<256xi32>
    %broadcast_in_dim3A_93 = vector.shape_cast %reduce_min3A_92 : vector<256xi32> to vector<256x1xi32>
    %add3A_94 = arith.constant 2048 : i32
    %add3A_95 = vector.broadcast %add3A_94 : i32 to vector<256x1xi32>
    %add3A_96 = arith.addi %broadcast_in_dim3A_93, %add3A_95 : vector<256x1xi32>
    %lt3A_97 = arith.cmpf olt, %broadcast_in_dim3A_84, %select_n3A_64 : vector<256x1xf32>
    %select_n3A_98 = arith.select %lt3A_97, %broadcast_in_dim3A_84, %select_n3A_64 : vector<256x1xi1>, vector<256x1xf32>
    %select_n3A_99 = arith.select %lt3A_97, %add3A_96, %select_n3A_65 : vector<256x1xi1>, vector<256x1xi32>
    %get3A_100 = arith.constant 0 : index
    %get3A_101 = arith.constant 3072 : index
    %get3A_102 = vector.load %arg2[%get3A_100, %get3A_101] : memref<256x8192xf32, #tpu.memory_space<vmem>>, vector<256x1024xf32>
    %dot_general3A_103 = arith.constant dense<0.000000e+00> : vector<256x1024xf32>
    %dot_general3A_104 = tpu.matmul %convert_element_type3A, %get3A_102, %dot_general3A_103 {dimension_numbers = #tpu.dot_dimension_numbers<[1], [0], [0], [1], [0, 0, 1, 1], [], []>, transpose_lhs_hint = false} : vector<256x256xbf16>, vector<256x1024xf32>, vector<256x1024xf32> -> vector<256x1024xf32>
    %mul3A_105 = arith.mulf %get3A_102, %get3A_102 : vector<256x1024xf32>
    %reduce_sum3A_106 = arith.constant dense<0.000000e+00> : vector<1024xf32>
    %reduce_sum3A_107 = vector.multi_reduction <add>, %mul3A_105, %reduce_sum3A_106 [0] : vector<256x1024xf32> to vector<1024xf32>
    %broadcast_in_dim3A_108 = vector.shape_cast %reduce_sum3A_107 : vector<1024xf32> to vector<1x1024xf32>
    %mul3A_109 = arith.constant 2.000000e+00 : f32
    %mul3A_110 = vector.broadcast %mul3A_109 : f32 to vector<256x1024xf32>
    %mul3A_111 = arith.mulf %mul3A_110, %dot_general3A_104 : vector<256x1024xf32>
    %sub3A_112 = vector.broadcast %broadcast_in_dim3A : vector<256x1xf32> to vector<256x1024xf32>
    %sub3A_113 = arith.subf %sub3A_112, %mul3A_111 : vector<256x1024xf32>
    %add3A_114 = vector.broadcast %broadcast_in_dim3A_108 : vector<1x1024xf32> to vector<256x1024xf32>
    %add3A_115 = arith.addf %sub3A_113, %add3A_114 : vector<256x1024xf32>
    %reduce_min3A_116 = arith.constant dense<0x7F800000> : vector<256xf32>
    %reduce_min3A_117 = vector.multi_reduction <minimumf>, %add3A_115, %reduce_min3A_116 [1] : vector<256x1024xf32> to vector<256xf32>
    %broadcast_in_dim3A_118 = vector.shape_cast %reduce_min3A_117 : vector<256xf32> to vector<256x1xf32>
    %iota3A_119 = tpu.iota {dimensions = array<i32: 1>} : vector<256x1024xi32>
    %eq3A_120 = vector.broadcast %broadcast_in_dim3A_118 : vector<256x1xf32> to vector<256x1024xf32>
    %eq3A_121 = arith.cmpf oeq, %add3A_115, %eq3A_120 : vector<256x1024xf32>
    %jit3A_122 = arith.constant 8192 : i32
    %broadcast_in_dim3A_123 = vector.broadcast %jit3A_122 : i32 to vector<256x1024xi32>
    %select_n3A_124 = arith.select %eq3A_121, %iota3A_119, %broadcast_in_dim3A_123 : vector<256x1024xi1>, vector<256x1024xi32>
    %reduce_min3A_125 = arith.constant dense<2147483647> : vector<256xi32>
    %reduce_min3A_126 = vector.multi_reduction <minsi>, %select_n3A_124, %reduce_min3A_125 [1] : vector<256x1024xi32> to vector<256xi32>
    %broadcast_in_dim3A_127 = vector.shape_cast %reduce_min3A_126 : vector<256xi32> to vector<256x1xi32>
    %add3A_128 = arith.constant 3072 : i32
    %add3A_129 = vector.broadcast %add3A_128 : i32 to vector<256x1xi32>
    %add3A_130 = arith.addi %broadcast_in_dim3A_127, %add3A_129 : vector<256x1xi32>
    %lt3A_131 = arith.cmpf olt, %broadcast_in_dim3A_118, %select_n3A_98 : vector<256x1xf32>
    %select_n3A_132 = arith.select %lt3A_131, %broadcast_in_dim3A_118, %select_n3A_98 : vector<256x1xi1>, vector<256x1xf32>
    %select_n3A_133 = arith.select %lt3A_131, %add3A_130, %select_n3A_99 : vector<256x1xi1>, vector<256x1xi32>
    %get3A_134 = arith.constant 0 : index
    %get3A_135 = arith.constant 4096 : index
    %get3A_136 = vector.load %arg2[%get3A_134, %get3A_135] : memref<256x8192xf32, #tpu.memory_space<vmem>>, vector<256x1024xf32>
    %dot_general3A_137 = arith.constant dense<0.000000e+00> : vector<256x1024xf32>
    %dot_general3A_138 = tpu.matmul %convert_element_type3A, %get3A_136, %dot_general3A_137 {dimension_numbers = #tpu.dot_dimension_numbers<[1], [0], [0], [1], [0, 0, 1, 1], [], []>, transpose_lhs_hint = false} : vector<256x256xbf16>, vector<256x1024xf32>, vector<256x1024xf32> -> vector<256x1024xf32>
    %mul3A_139 = arith.mulf %get3A_136, %get3A_136 : vector<256x1024xf32>
    %reduce_sum3A_140 = arith.constant dense<0.000000e+00> : vector<1024xf32>
    %reduce_sum3A_141 = vector.multi_reduction <add>, %mul3A_139, %reduce_sum3A_140 [0] : vector<256x1024xf32> to vector<1024xf32>
    %broadcast_in_dim3A_142 = vector.shape_cast %reduce_sum3A_141 : vector<1024xf32> to vector<1x1024xf32>
    %mul3A_143 = arith.constant 2.000000e+00 : f32
    %mul3A_144 = vector.broadcast %mul3A_143 : f32 to vector<256x1024xf32>
    %mul3A_145 = arith.mulf %mul3A_144, %dot_general3A_138 : vector<256x1024xf32>
    %sub3A_146 = vector.broadcast %broadcast_in_dim3A : vector<256x1xf32> to vector<256x1024xf32>
    %sub3A_147 = arith.subf %sub3A_146, %mul3A_145 : vector<256x1024xf32>
    %add3A_148 = vector.broadcast %broadcast_in_dim3A_142 : vector<1x1024xf32> to vector<256x1024xf32>
    %add3A_149 = arith.addf %sub3A_147, %add3A_148 : vector<256x1024xf32>
    %reduce_min3A_150 = arith.constant dense<0x7F800000> : vector<256xf32>
    %reduce_min3A_151 = vector.multi_reduction <minimumf>, %add3A_149, %reduce_min3A_150 [1] : vector<256x1024xf32> to vector<256xf32>
    %broadcast_in_dim3A_152 = vector.shape_cast %reduce_min3A_151 : vector<256xf32> to vector<256x1xf32>
    %iota3A_153 = tpu.iota {dimensions = array<i32: 1>} : vector<256x1024xi32>
    %eq3A_154 = vector.broadcast %broadcast_in_dim3A_152 : vector<256x1xf32> to vector<256x1024xf32>
    %eq3A_155 = arith.cmpf oeq, %add3A_149, %eq3A_154 : vector<256x1024xf32>
    %jit3A_156 = arith.constant 8192 : i32
    %broadcast_in_dim3A_157 = vector.broadcast %jit3A_156 : i32 to vector<256x1024xi32>
    %select_n3A_158 = arith.select %eq3A_155, %iota3A_153, %broadcast_in_dim3A_157 : vector<256x1024xi1>, vector<256x1024xi32>
    %reduce_min3A_159 = arith.constant dense<2147483647> : vector<256xi32>
    %reduce_min3A_160 = vector.multi_reduction <minsi>, %select_n3A_158, %reduce_min3A_159 [1] : vector<256x1024xi32> to vector<256xi32>
    %broadcast_in_dim3A_161 = vector.shape_cast %reduce_min3A_160 : vector<256xi32> to vector<256x1xi32>
    %add3A_162 = arith.constant 4096 : i32
    %add3A_163 = vector.broadcast %add3A_162 : i32 to vector<256x1xi32>
    %add3A_164 = arith.addi %broadcast_in_dim3A_161, %add3A_163 : vector<256x1xi32>
    %lt3A_165 = arith.cmpf olt, %broadcast_in_dim3A_152, %select_n3A_132 : vector<256x1xf32>
    %select_n3A_166 = arith.select %lt3A_165, %broadcast_in_dim3A_152, %select_n3A_132 : vector<256x1xi1>, vector<256x1xf32>
    %select_n3A_167 = arith.select %lt3A_165, %add3A_164, %select_n3A_133 : vector<256x1xi1>, vector<256x1xi32>
    %get3A_168 = arith.constant 0 : index
    %get3A_169 = arith.constant 5120 : index
    %get3A_170 = vector.load %arg2[%get3A_168, %get3A_169] : memref<256x8192xf32, #tpu.memory_space<vmem>>, vector<256x1024xf32>
    %dot_general3A_171 = arith.constant dense<0.000000e+00> : vector<256x1024xf32>
    %dot_general3A_172 = tpu.matmul %convert_element_type3A, %get3A_170, %dot_general3A_171 {dimension_numbers = #tpu.dot_dimension_numbers<[1], [0], [0], [1], [0, 0, 1, 1], [], []>, transpose_lhs_hint = false} : vector<256x256xbf16>, vector<256x1024xf32>, vector<256x1024xf32> -> vector<256x1024xf32>
    %mul3A_173 = arith.mulf %get3A_170, %get3A_170 : vector<256x1024xf32>
    %reduce_sum3A_174 = arith.constant dense<0.000000e+00> : vector<1024xf32>
    %reduce_sum3A_175 = vector.multi_reduction <add>, %mul3A_173, %reduce_sum3A_174 [0] : vector<256x1024xf32> to vector<1024xf32>
    %broadcast_in_dim3A_176 = vector.shape_cast %reduce_sum3A_175 : vector<1024xf32> to vector<1x1024xf32>
    %mul3A_177 = arith.constant 2.000000e+00 : f32
    %mul3A_178 = vector.broadcast %mul3A_177 : f32 to vector<256x1024xf32>
    %mul3A_179 = arith.mulf %mul3A_178, %dot_general3A_172 : vector<256x1024xf32>
    %sub3A_180 = vector.broadcast %broadcast_in_dim3A : vector<256x1xf32> to vector<256x1024xf32>
    %sub3A_181 = arith.subf %sub3A_180, %mul3A_179 : vector<256x1024xf32>
    %add3A_182 = vector.broadcast %broadcast_in_dim3A_176 : vector<1x1024xf32> to vector<256x1024xf32>
    %add3A_183 = arith.addf %sub3A_181, %add3A_182 : vector<256x1024xf32>
    %reduce_min3A_184 = arith.constant dense<0x7F800000> : vector<256xf32>
    %reduce_min3A_185 = vector.multi_reduction <minimumf>, %add3A_183, %reduce_min3A_184 [1] : vector<256x1024xf32> to vector<256xf32>
    %broadcast_in_dim3A_186 = vector.shape_cast %reduce_min3A_185 : vector<256xf32> to vector<256x1xf32>
    %iota3A_187 = tpu.iota {dimensions = array<i32: 1>} : vector<256x1024xi32>
    %eq3A_188 = vector.broadcast %broadcast_in_dim3A_186 : vector<256x1xf32> to vector<256x1024xf32>
    %eq3A_189 = arith.cmpf oeq, %add3A_183, %eq3A_188 : vector<256x1024xf32>
    %jit3A_190 = arith.constant 8192 : i32
    %broadcast_in_dim3A_191 = vector.broadcast %jit3A_190 : i32 to vector<256x1024xi32>
    %select_n3A_192 = arith.select %eq3A_189, %iota3A_187, %broadcast_in_dim3A_191 : vector<256x1024xi1>, vector<256x1024xi32>
    %reduce_min3A_193 = arith.constant dense<2147483647> : vector<256xi32>
    %reduce_min3A_194 = vector.multi_reduction <minsi>, %select_n3A_192, %reduce_min3A_193 [1] : vector<256x1024xi32> to vector<256xi32>
    %broadcast_in_dim3A_195 = vector.shape_cast %reduce_min3A_194 : vector<256xi32> to vector<256x1xi32>
    %add3A_196 = arith.constant 5120 : i32
    %add3A_197 = vector.broadcast %add3A_196 : i32 to vector<256x1xi32>
    %add3A_198 = arith.addi %broadcast_in_dim3A_195, %add3A_197 : vector<256x1xi32>
    %lt3A_199 = arith.cmpf olt, %broadcast_in_dim3A_186, %select_n3A_166 : vector<256x1xf32>
    %select_n3A_200 = arith.select %lt3A_199, %broadcast_in_dim3A_186, %select_n3A_166 : vector<256x1xi1>, vector<256x1xf32>
    %select_n3A_201 = arith.select %lt3A_199, %add3A_198, %select_n3A_167 : vector<256x1xi1>, vector<256x1xi32>
    %get3A_202 = arith.constant 0 : index
    %get3A_203 = arith.constant 6144 : index
    %get3A_204 = vector.load %arg2[%get3A_202, %get3A_203] : memref<256x8192xf32, #tpu.memory_space<vmem>>, vector<256x1024xf32>
    %dot_general3A_205 = arith.constant dense<0.000000e+00> : vector<256x1024xf32>
    %dot_general3A_206 = tpu.matmul %convert_element_type3A, %get3A_204, %dot_general3A_205 {dimension_numbers = #tpu.dot_dimension_numbers<[1], [0], [0], [1], [0, 0, 1, 1], [], []>, transpose_lhs_hint = false} : vector<256x256xbf16>, vector<256x1024xf32>, vector<256x1024xf32> -> vector<256x1024xf32>
    %mul3A_207 = arith.mulf %get3A_204, %get3A_204 : vector<256x1024xf32>
    %reduce_sum3A_208 = arith.constant dense<0.000000e+00> : vector<1024xf32>
    %reduce_sum3A_209 = vector.multi_reduction <add>, %mul3A_207, %reduce_sum3A_208 [0] : vector<256x1024xf32> to vector<1024xf32>
    %broadcast_in_dim3A_210 = vector.shape_cast %reduce_sum3A_209 : vector<1024xf32> to vector<1x1024xf32>
    %mul3A_211 = arith.constant 2.000000e+00 : f32
    %mul3A_212 = vector.broadcast %mul3A_211 : f32 to vector<256x1024xf32>
    %mul3A_213 = arith.mulf %mul3A_212, %dot_general3A_206 : vector<256x1024xf32>
    %sub3A_214 = vector.broadcast %broadcast_in_dim3A : vector<256x1xf32> to vector<256x1024xf32>
    %sub3A_215 = arith.subf %sub3A_214, %mul3A_213 : vector<256x1024xf32>
    %add3A_216 = vector.broadcast %broadcast_in_dim3A_210 : vector<1x1024xf32> to vector<256x1024xf32>
    %add3A_217 = arith.addf %sub3A_215, %add3A_216 : vector<256x1024xf32>
    %reduce_min3A_218 = arith.constant dense<0x7F800000> : vector<256xf32>
    %reduce_min3A_219 = vector.multi_reduction <minimumf>, %add3A_217, %reduce_min3A_218 [1] : vector<256x1024xf32> to vector<256xf32>
    %broadcast_in_dim3A_220 = vector.shape_cast %reduce_min3A_219 : vector<256xf32> to vector<256x1xf32>
    %iota3A_221 = tpu.iota {dimensions = array<i32: 1>} : vector<256x1024xi32>
    %eq3A_222 = vector.broadcast %broadcast_in_dim3A_220 : vector<256x1xf32> to vector<256x1024xf32>
    %eq3A_223 = arith.cmpf oeq, %add3A_217, %eq3A_222 : vector<256x1024xf32>
    %jit3A_224 = arith.constant 8192 : i32
    %broadcast_in_dim3A_225 = vector.broadcast %jit3A_224 : i32 to vector<256x1024xi32>
    %select_n3A_226 = arith.select %eq3A_223, %iota3A_221, %broadcast_in_dim3A_225 : vector<256x1024xi1>, vector<256x1024xi32>
    %reduce_min3A_227 = arith.constant dense<2147483647> : vector<256xi32>
    %reduce_min3A_228 = vector.multi_reduction <minsi>, %select_n3A_226, %reduce_min3A_227 [1] : vector<256x1024xi32> to vector<256xi32>
    %broadcast_in_dim3A_229 = vector.shape_cast %reduce_min3A_228 : vector<256xi32> to vector<256x1xi32>
    %add3A_230 = arith.constant 6144 : i32
    %add3A_231 = vector.broadcast %add3A_230 : i32 to vector<256x1xi32>
    %add3A_232 = arith.addi %broadcast_in_dim3A_229, %add3A_231 : vector<256x1xi32>
    %lt3A_233 = arith.cmpf olt, %broadcast_in_dim3A_220, %select_n3A_200 : vector<256x1xf32>
    %select_n3A_234 = arith.select %lt3A_233, %broadcast_in_dim3A_220, %select_n3A_200 : vector<256x1xi1>, vector<256x1xf32>
    %select_n3A_235 = arith.select %lt3A_233, %add3A_232, %select_n3A_201 : vector<256x1xi1>, vector<256x1xi32>
    %get3A_236 = arith.constant 0 : index
    %get3A_237 = arith.constant 7168 : index
    %get3A_238 = vector.load %arg2[%get3A_236, %get3A_237] : memref<256x8192xf32, #tpu.memory_space<vmem>>, vector<256x1024xf32>
    %dot_general3A_239 = arith.constant dense<0.000000e+00> : vector<256x1024xf32>
    %dot_general3A_240 = tpu.matmul %convert_element_type3A, %get3A_238, %dot_general3A_239 {dimension_numbers = #tpu.dot_dimension_numbers<[1], [0], [0], [1], [0, 0, 1, 1], [], []>, transpose_lhs_hint = false} : vector<256x256xbf16>, vector<256x1024xf32>, vector<256x1024xf32> -> vector<256x1024xf32>
    %mul3A_241 = arith.mulf %get3A_238, %get3A_238 : vector<256x1024xf32>
    %reduce_sum3A_242 = arith.constant dense<0.000000e+00> : vector<1024xf32>
    %reduce_sum3A_243 = vector.multi_reduction <add>, %mul3A_241, %reduce_sum3A_242 [0] : vector<256x1024xf32> to vector<1024xf32>
    %broadcast_in_dim3A_244 = vector.shape_cast %reduce_sum3A_243 : vector<1024xf32> to vector<1x1024xf32>
    %mul3A_245 = arith.constant 2.000000e+00 : f32
    %mul3A_246 = vector.broadcast %mul3A_245 : f32 to vector<256x1024xf32>
    %mul3A_247 = arith.mulf %mul3A_246, %dot_general3A_240 : vector<256x1024xf32>
    %sub3A_248 = vector.broadcast %broadcast_in_dim3A : vector<256x1xf32> to vector<256x1024xf32>
    %sub3A_249 = arith.subf %sub3A_248, %mul3A_247 : vector<256x1024xf32>
    %add3A_250 = vector.broadcast %broadcast_in_dim3A_244 : vector<1x1024xf32> to vector<256x1024xf32>
    %add3A_251 = arith.addf %sub3A_249, %add3A_250 : vector<256x1024xf32>
    %reduce_min3A_252 = arith.constant dense<0x7F800000> : vector<256xf32>
    %reduce_min3A_253 = vector.multi_reduction <minimumf>, %add3A_251, %reduce_min3A_252 [1] : vector<256x1024xf32> to vector<256xf32>
    %broadcast_in_dim3A_254 = vector.shape_cast %reduce_min3A_253 : vector<256xf32> to vector<256x1xf32>
    %iota3A_255 = tpu.iota {dimensions = array<i32: 1>} : vector<256x1024xi32>
    %eq3A_256 = vector.broadcast %broadcast_in_dim3A_254 : vector<256x1xf32> to vector<256x1024xf32>
    %eq3A_257 = arith.cmpf oeq, %add3A_251, %eq3A_256 : vector<256x1024xf32>
    %jit3A_258 = arith.constant 8192 : i32
    %broadcast_in_dim3A_259 = vector.broadcast %jit3A_258 : i32 to vector<256x1024xi32>
    %select_n3A_260 = arith.select %eq3A_257, %iota3A_255, %broadcast_in_dim3A_259 : vector<256x1024xi1>, vector<256x1024xi32>
    %reduce_min3A_261 = arith.constant dense<2147483647> : vector<256xi32>
    %reduce_min3A_262 = vector.multi_reduction <minsi>, %select_n3A_260, %reduce_min3A_261 [1] : vector<256x1024xi32> to vector<256xi32>
    %broadcast_in_dim3A_263 = vector.shape_cast %reduce_min3A_262 : vector<256xi32> to vector<256x1xi32>
    %add3A_264 = arith.constant 7168 : i32
    %add3A_265 = vector.broadcast %add3A_264 : i32 to vector<256x1xi32>
    %add3A_266 = arith.addi %broadcast_in_dim3A_263, %add3A_265 : vector<256x1xi32>
    %lt3A_267 = arith.cmpf olt, %broadcast_in_dim3A_254, %select_n3A_234 : vector<256x1xf32>
    %select_n3A_268 = arith.select %lt3A_267, %broadcast_in_dim3A_254, %select_n3A_234 : vector<256x1xi1>, vector<256x1xf32>
    %select_n3A_269 = arith.select %lt3A_267, %add3A_266, %select_n3A_235 : vector<256x1xi1>, vector<256x1xi32>
    %swap3A = arith.constant 0 : index
    %swap3A_270 = arith.constant 0 : index
    %swap3A_271 = vector.load %arg3[%swap3A, %swap3A_270] : memref<256x1xi32, #tpu.memory_space<vmem>>, vector<256x1xi32>
    tpu.vector_store %arg3[%swap3A, %swap3A_270], %select_n3A_269 {strides = array<i32>} : memref<256x1xi32, #tpu.memory_space<vmem>>, vector<256x1xi32>,
    %eq3A_272 = arith.constant 0 : i32
    %eq3A_273 = arith.cmpi eq, %arg0, %eq3A_272 : i32
    %convert_element_type3A_274 = arith.extui %eq3A_273 : i1 to i32
    %cond3A = arith.constant 0 : i32
    %cond3A_275 = arith.cmpi ne, %convert_element_type3A_274, %cond3A : i32
    scf.if %cond3A_275 {
      %swap3A_288 = arith.constant 0.000000e+00 : f32
      %swap3A_289 = arith.constant 0 : index
      %swap3A_290 = arith.constant 0 : index
      %swap3A_291 = memref.load %arg4[%swap3A_289, %swap3A_290] : memref<1x1xf32, #tpu.memory_space<smem>>
      memref.store %swap3A_288, %arg4[%swap3A_289, %swap3A_290] : memref<1x1xf32, #tpu.memory_space<smem>>
    } else {
    }
    %get3A_276 = arith.constant 0 : index
    %get3A_277 = arith.constant 0 : index
    %get3A_278 = memref.load %arg4[%get3A_276, %get3A_277] : memref<1x1xf32, #tpu.memory_space<smem>>
    %reduce_sum3A_279 = vector.shape_cast %select_n3A_268 : vector<256x1xf32> to vector<1x256x1xf32>
    %reduce_sum3A_280 = arith.constant dense<0.000000e+00> : vector<1xf32>
    %reduce_sum3A_281 = vector.multi_reduction <add>, %reduce_sum3A_279, %reduce_sum3A_280 [1, 2] : vector<1x256x1xf32> to vector<1xf32>
    %reduce_sum3A_282 = vector.shape_cast %reduce_sum3A_281 : vector<1xf32> to vector<1x1x1xf32>
    %reduce_sum3A_283 = vector.extract %reduce_sum3A_282[0, 0, 0] : f32 from vector<1x1x1xf32>
    %add3A_284 = arith.addf %get3A_278, %reduce_sum3A_283 : f32
    %swap3A_285 = arith.constant 0 : index
    %swap3A_286 = arith.constant 0 : index
    %swap3A_287 = memref.load %arg4[%swap3A_285, %swap3A_286] : memref<1x1xf32, #tpu.memory_space<smem>>
    memref.store %add3A_284, %arg4[%swap3A_285, %swap3A_286] : memref<1x1xf32, #tpu.memory_space<smem>>
    return
  }
  func.func @transform_0(%arg0: i32) -> (i32, i32) {
    %c0_i32 = arith.constant 0 : i32
    %c0_i32_0 = arith.constant 0 : i32
    return %arg0, %c0_i32 : i32, i32
  }
  func.func @transform_1(%arg0: i32) -> (i32, i32) {
    %c0_i32 = arith.constant 0 : i32
    %c0_i32_0 = arith.constant 0 : i32
    %c0_i32_1 = arith.constant 0 : i32
    return %c0_i32, %c0_i32_0 : i32, i32
  }
  func.func @transform_2(%arg0: i32) -> (i32, i32) {
    %c0_i32 = arith.constant 0 : i32
    %c0_i32_0 = arith.constant 0 : i32
    return %arg0, %c0_i32 : i32, i32
  }
  func.func @transform_3(%arg0: i32) -> (i32, i32) {
    %c0_i32 = arith.constant 0 : i32
    %c0_i32_0 = arith.constant 0 : i32
    %c0_i32_1 = arith.constant 0 : i32
    return %c0_i32, %c0_i32_0 : i32, i32
  }
}

</mosaic_0001>

<sc_bundles>
// kernel: kernel.4.cloned.1.call-start
scs
__scs_entry_jumppad:
0x0: {  	(pc) =	sbr.rel $0x88, $3  }
0x1: {  	(tag) =	ssettag $0x0;
	lr =	simm.s32 $0x1  }
0x2: {  	[smem:$0x3F9F] =	sst lr;
	_ =	strace $0xD0000000  }
0x3: {  	_ = 	snop  }
0x4: {  	_ = 	snop  }
0x5: {  	_ = 	snop  }
0x6: {  	_ = 	snop  }
0x7: {  	_ = 	snop  }
__scs_overlays_trampoline_lowered:
0x8: {  	[smem:$0x3FAE] =	sst s0  }
0x9: {  	[smem:$0x3FAF] =	sst s1  }
0xa: {  	[smem:$0x3FB0] =	sst s2  }
0xb: {  	[smem:$0x3FB1] =	sst s3  }
0xc: {  	[smem:$0x3FB2] =	sst s4  }
0xd: {  	[smem:$0x3FB3] =	sst s5  }
0xe: {  	[smem:$0x3FB4] =	sst s6  }
0xf: {  	[smem:$0x3FB5] =	sst s7  }
0x10: {  	[smem:$0x3FB6] =	sst s8  }
0x11: {  	[smem:$0x3FB7] =	sst s9;
	s0 =	simm.s32 @!p0 $0x0  }
0x12: {  	s1 =	sld [smem:$0x3F9D];
	s0 =	simm.s32 @p0 $0x1  }
0x13: {  	[smem:$0x3FB8] =	sst s0;
	s0 =	simm.s32 @!p1 $0x0  }
0x14: {  	s2 =	sld [smem:$0x3F9C];
	s0 =	simm.s32 @p1 $0x1  }
0x15: {  	[smem:$0x3FB9] =	sst s0;
	s0 =	simm.s32 @!p2 $0x0  }
0x16: {  	s3 =	sld [smem:$0x3FDB];
	s0 =	simm.s32 @p2 $0x1  }
0x17: {  	s4 =	simm.s32 $0x1BF5;
	[smem:$0x3FBB] =	sst s0  }
0x18: {  	s0 =	sld [smem:$0x3F9E];
	_ =	swait.ge [sflag:s4], $0x0  }
0x19: {  	s7 =	sld [smem:$0x3F9F]  }
0x1a: {  	s8 =	sadd.s32 $0xFFFFE003, lr  }
0x1b: {  	s9 =	sadd.s32 $0xFFFFFEF7, lr;
	s5 =	simm.s32 $0xFFFFFFFF;
	p2 =	slt.u32 s8, $0xFFFFF086  }
0x1c: {  	p1 =	slt.u32 s9, $0xF7A;
	s5 =	simm.s32 @!p2 $0x0  }
0x1d: {  	s5 =	simm.s32 @p1 $0x1;
	p0 =	seq.s32 s7, s2  }
0x1e: {  	s7 =	smul.u32 @!p0 $0xF7A, s2;
	p2 =	seq.s32 @!p0 s5, $0x0  }
0x1f: {  	s9 =	smul.u32 $0xF7A, s1;
	s8 =	simm.s32 @!p0 $0x1BF5;
	p2 =	por !p2, p0  }
0x20: {  	[sflag:s8] =	ssyncset.s32 @!p0 $0xFFFFF086;
	s6 =	sadd.s32 @!p0 s3, s7;
	s7 =	simm.s32 @!p0 $0x108  }
0x21: {  	s3 =	sadd.s32 s3, s9;
	s6 =	sadd.s32 @!p0 $0x88, s6;
	s7 =	simm.s32 @p2 $0x1082  }
0x22: {  	[simem:s7], [sflag:s8] =	dma.local @!p0 [hbm:s6], $0xF7A  }
0x23: {  	s9 =	sor.u32 $0xD0000000, s2;
	s6 =	simm.s32 $0x108;
	_ =	swait.ge @!p0 [sflag:s8], $0x0  }
0x24: {  	s3 =	sadd.s32 $0x88, s3;
	s6 =	simm.s32 @!p1 $0x1082;
	[sflag:s4] =	ssyncset.s32 $0xFFFFF086  }
0x25: {  	[simem:s6], [sflag:s4] =	dma.local [hbm:s3], $0xF7A  }
0x26: {  	[smem:$0x3F9F] =	sst s1;
	(tag) =	ssettag s2;
	_ =	strace s9  }
0x27: {  	s1 =	sld [smem:$0x3FAF]  }
0x28: {  	s2 =	sld [smem:$0x3FB0]  }
0x29: {  	s4 =	sld [smem:$0x3FB2]  }
0x2a: {  	p0 =	seq.s32 s5, $0x0;
	s5 =	sld [smem:$0x3FB3]  }
0x2b: {  	s6 =	sld [smem:$0x3FB4]  }
0x2c: {  	s7 =	sld [smem:$0x3FB5]  }
0x2d: {  	s3 =	simm.s32 $0x108;
	s8 =	sld [smem:$0x3FB6]  }
0x2e: {  	s3 =	simm.s32 @!p0 $0x1082;
	s9 =	sld [smem:$0x3FB7]  }
0x2f: {  	lr =	sadd.s32 s0, s3;
	s0 =	sld [smem:$0x3FAE]  }
0x30: {  	s3 =	sld [smem:$0x3FB1]  }
0x31: {  	[smem:$0x3FBA] =	sst s10  }
0x32: {  	s10 =	sld [smem:$0x3FB8];
	_ =	sdelay $0x3  }
0x33: {  	p0 =	seq.s32 s10, $0x1;
	s10 =	sld [smem:$0x3FBA];
	_ =	sdelay $0x3  }
0x34: {  	[smem:$0x3FBA] =	sst s10  }
0x35: {  	s10 =	sld [smem:$0x3FB9];
	_ =	sdelay $0x3  }
0x36: {  	p1 =	seq.s32 s10, $0x1;
	s10 =	sld [smem:$0x3FBA];
	_ =	sdelay $0x3  }
0x37: {  	[smem:$0x3FBA] =	sst s10  }
0x38: {  	s10 =	sld [smem:$0x3FBB]  }
0x39: {  	_ = 	snop;
	(pc) =	sbr.ind lr, $3  }
0x3a: {  	_ = 	snop  }
0x3b: {  	_ = 	snop  }
0x3c: {  	p2 =	seq.s32 s10, $0x1;
	s10 =	sld [smem:$0x3FBA]  }
0x3d: {  	_ =	shalt  }
0x3e: {  	_ =	shalt  }
0x3f: {  	_ =	shalt  }
0x40: {  	_ =	shalt  }
0x41: {  	_ =	shalt  }
0x42: {  	_ =	shalt  }
0x43: {  	_ =	shalt  }
0x44: {  	_ =	shalt  }
0x45: {  	_ =	shalt  }
0x46: {  	_ =	shalt  }
0x47: {  	_ =	shalt  }
0x48: {  	_ =	shalt  }
0x49: {  	_ =	shalt  }
0x4a: {  	_ =	shalt  }
0x4b: {  	_ =	shalt  }
0x4c: {  	_ =	shalt  }
0x4d: {  	_ =	shalt  }
0x4e: {  	_ =	shalt  }
0x4f: {  	_ =	shalt  }
0x50: {  	_ =	shalt  }
0x51: {  	_ =	shalt  }
0x52: {  	_ =	shalt  }
0x53: {  	_ =	shalt  }
0x54: {  	_ =	shalt  }
0x55: {  	_ =	shalt  }
0x56: {  	_ =	shalt  }
0x57: {  	_ =	shalt  }
0x58: {  	_ =	shalt  }
0x59: {  	_ =	shalt  }
0x5a: {  	_ =	shalt  }
0x5b: {  	_ =	shalt  }
0x5c: {  	_ =	shalt  }
0x5d: {  	_ =	shalt  }
0x5e: {  	_ =	shalt  }
0x5f: {  	_ =	shalt  }
0x60: {  	_ =	shalt  }
0x61: {  	_ =	shalt  }
0x62: {  	_ =	shalt  }
0x63: {  	_ =	shalt  }
0x64: {  	_ =	shalt  }
0x65: {  	_ =	shalt  }
0x66: {  	_ =	shalt  }
0x67: {  	_ =	shalt  }
0x68: {  	_ =	shalt  }
0x69: {  	_ =	shalt  }
0x6a: {  	_ =	shalt  }
0x6b: {  	_ =	shalt  }
0x6c: {  	_ =	shalt  }
0x6d: {  	_ =	shalt  }
0x6e: {  	_ =	shalt  }
0x6f: {  	_ =	shalt  }
0x70: {  	_ =	shalt  }
0x71: {  	_ =	shalt  }
0x72: {  	_ =	shalt  }
0x73: {  	_ =	shalt  }
0x74: {  	_ =	shalt  }
0x75: {  	_ =	shalt  }
0x76: {  	_ =	shalt  }
0x77: {  	_ =	shalt  }
0x78: {  	_ =	shalt  }
0x79: {  	_ =	shalt  }
0x7a: {  	_ =	shalt  }
0x7b: {  	_ =	shalt  }
0x7c: {  	_ =	shalt  }
0x7d: {  	_ =	shalt  }
0x7e: {  	_ =	shalt  }
0x7f: {  	_ =	shalt  }
0x80: {  	_ =	shalt  }
0x81: {  	_ =	shalt  }
0x82: {  	_ =	shalt  }
0x83: {  	_ =	shalt  }
0x84: {  	_ =	shalt  }
0x85: {  	_ =	shalt  }
0x86: {  	_ =	shalt  }
0x87: {  	_ =	shalt  }
.Lfunc_end0:
.L_simem_size_0:
called_computation_lowered:
.L_overlay_start_0:
0x88: {  	s2 =	sld [smem:$0x3FD9]  }
0x89: {  	s3 =	sld [smem:$0x3FFE];
	_ =	sdelay $0x1  }
0x8a: {  	s1 =	srdreg.scid  }
0x8b: {  	s0 =	sand.u32 $0x1, s1  }
0x8c: {  	s14 =	sshll.u32 s0, $0xA;
	s2 =	sadd.s32 s3, s2  }
0x8d: {  	s2 =	sadd.s32 s2, s14  }
0x8e: {  	[smem:$0x3FC6] =	sst s2  }
0x8f: {  	_ = 	snop  }
0x90: {  	s2 =	sld [smem:$0x3FD0];
	_ =	sdelay $0x2  }
0x91: {  	s15 =	simm.s32 $0xA;
	s4 =	simm.s32 $0x10  }
0x92: {  	[smem:s4], [sflag:s15] =	dma.local [hbm:s2], $0x1  }
0x93: {  	_ =	swait.eq [sflag:s15], $0x1  }
0x94: {  	[sflag:s15] =	ssyncset.done $0x0  }
0x95: {  	[sflag:s15] =	ssyncadd.s32 $0xFFFFFFFF  }
0x96: {  	s16 =	sld [smem:$0x10];
	(tm) =	ssettm $0x1  }
0x97: {  	s17 =	sld [smem:$0x3FFB];
	_ =	sdelay $0x3  }
0x98: {  	_ =	strace s17  }
0x99: {  	s3 =	sld [smem:$0x3FFC];
	_ =	sdelay $0x3  }
0x9a: {  	_ =	strace s3  }
0x9b: {  	s3 =	sld [smem:$0x3FFD];
	_ =	sdelay $0x3  }
0x9c: {  	_ =	strace s3  }
0x9d: {  	_ =	strace $0x8FFFFFFF  }
0x9e: {  	s18 =	sld [smem:$0x3FDB];
	_ =	sdelay $0x1  }
0x9f: {  	s19 =	simm.s32 $_scs_section_size  }
0xa0: {  	s5 =	simm.s32 $_size__tile_overlayer_lowered;
	s6 =	simm.s32 $_tile_overlayer_lowered  }
0xa1: {  	s22 =	simm.s32 $0x1BFF;
	s21 =	sshll.u32 s6, $0x1;
	s3 =	sadd.s32 s19, s18  }
0xa2: {  	s7 =	simm.s32 $0x0;
	s20 =	sshll.u32 s5, $0x1;
	s5 =	sadd.s32 s21, s3  }
0xa3: {  	[timem:s7], [sflag:s22] =	dma.local [hbm:s5], s20  }
0xa4: {  	_ =	swait.ge [sflag:s22], s20  }
0xa5: {  	s4 =	ssub.s32 $0x0, s20;
	[sflag:s22] =	ssyncset.done $0x0  }
0xa6: {  	[sflag:s22] =	ssyncadd.s32 s4;
	_ =	sdelay $0x1  }
0xa7: {  	s23 =	simm.s32 $0x1B8B  }
0xa8: {  	_ =	swait.ge [sflag:s23], $0x1  }
0xa9: {  	[sflag:s23] =	ssyncset.done $0x0  }
0xaa: {  	s25 =	simm.s32 $0x1B8E;
	s24 =	sld [smem:$0x3FFE];
	[sflag:s23] =	ssyncadd.s32 $0xFFFFFFFF  }
0xab: {  	s26 =	simm.s32 $execute0_lowered;
	[smem:$0x3FD2] =	sst s25  }
0xac: {  	s5 =	sshll.u32 s26, $0x1;
	_ =	strace $0x80000046;
	[dreg:$0x1] =	wrdreg $0xFFFFFFFF  }
0xad: {  	s28 =	simm.s32 $_size_execute0_lowered;
	s3 =	sadd.s32 s3, s5;
	[dreg:$0x0] =	wrdreg $0x0  }
0xae: {  	s5 =	sshll.u32 s28, $0x1;
	[dreg:$0x2] =	wrdreg s3  }
0xaf: {  	[dreg:$0x3] =	wrdreg s5  }
0xb0: {  	[dreg:$0x4] =	wrdreg $0xC0  }
0xb1: {  	_ =	task [dreg:s7], $0x5FFFF  }
0xb2: {  	[dreg:$0x1] =	wrdreg $0xFFFFFFFF  }
0xb3: {  	[dreg:$0x0] =	wrdreg $0x60  }
0xb4: {  	[dreg:$0x2] =	wrdreg s24  }
0xb5: {  	[dreg:$0x3] =	wrdreg s16  }
0xb6: {  	[dreg:$0x4] =	wrdreg $0x9  }
0xb7: {  	_ =	task.clear_ibuf [dreg:s7], $0x5FFFF;
	_ =	strace $0x90000046  }
0xb8: {  	s29 =	simm.s32 $0x9;
	_ =	strace $0x80000048  }
0xb9: {  	_ =	swait.ge [sflag:s29], $0x1  }
0xba: {  	[sflag:s29] =	ssyncadd.s32 $0xFFFFFFFF  }
0xbb: {  	_ =	strace $0x90000048  }
0xbc: {  	_ =	sfence  }
0xbd: {  	s30 =	sld [smem:$0x0];
	_ =	sdelay $0x2  }
0xbe: {  	s31 =	sshll.u32 s1, $0xD;
	s1 =	sshrl.u32 s1, $0x2  }
0xbf: {  	s3 =	sand.u32 $0x4000, s31;
	s1 =	sadd.s32 s1, s30  }
0xc0: {  	s0 =	sor.u32 s3, s0;
	s1 =	sshll.u32 s1, $0x11  }
0xc1: {  	s0 =	sor.u32 s1, s0  }
0xc2: {  	s0 =	sadd.s32 $0x8F2B, s0  }
0xc3: {  	[sflag:s0] =	ssyncadd.remote.s32 $0x1  }
0xc4: {  	_ =	sfence.sel $0xFFFF  }
0xc5: {  	[dreg:$0x0] =	wrdreg $0xFFFFFFFF;
	(pc) =	sbr.abs _section_cstart, $3  }
0xc6: {  	[dreg:$0x1] =	wrdreg $0xFFFFFFFF  }
0xc7: {  	_ =	task.clear_ibuf [dreg:s7], $0x2FFFF;
	_ =	strace $0x9FFFFFFF  }
0xc8: {  	(tm) =	ssettm $0x7FFFFFFF  }
0xc9: {  	_ =	shalt  }
tec
execute0_lowered:
.L_overlay_start_1:
0x0: {  	(tag) =	ssettag $0x1  }
0x1: {  	s0 =	rddreg [dreg:$0x0]  }
0x2: {  	s1 =	srdreg.scid;
	s3 =	rddreg [dreg:$0x1]  }
0x3: {  	s2 =	simm.s32 $0x0;
	s6 =	stileid.u32;
	s15 =	simm.s32 $0x2  }
0x4: {  	s17 =	simm.s32 $0x1200;
	s18 =	simm.s32 $0x1A00;
	s19 =	simm.s32 $0x2200  }
0x5: {  	s20 =	simm.s32 $0x2A00;
	s28 =	simm.s32 $0x5A00;
	s29 =	simm.s32 $0x6200  }
0x6: {  	s30 =	simm.s32 $0x6A00;
	s31 =	simm.s32 $0x7200;
	s14 =	simm.s32 $0x8200  }
0x7: {  	s8 =	simm.s32 $0x9200;
	s9 =	simm.s32 $0x9A00;
	s10 =	simm.s32 $0xA200  }
0x8: {  	s12 =	simm.s32 $0xB200;
	s13 =	simm.s32 $0xBA00;
	s1 =	sand.u32 $0x1, s1  }
0x9: {  	s5 =	sshll.u32 s6, $0x7;
	s6 =	sshll.u32 s6, $0xF;
	[smem:$0x7FF] =	sst s2  }
0xa: {  	s4 =	sshll.u32 s1, $0x6;
	s7 =	sshll.u32 s1, $0xE;
	_ =	strace $0x80000047  }
0xb: {  	s1 =	ssub.s32 $0x2, s1;
	s4 =	sadd.s32 s4, s0;
	s21 =	sor.u32 s7, s6  }
0xc: {  	s24 =	sshrl.u32 s1, $0x1;
	s6 =	simm.s32 $0x3;
	s7 =	simm.s32 $0xC200  }
0xd: {  	s4 =	sadd.s32 s5, s4;
	s3 =	sadd.s32 s3, s21;
	s26 =	ssub.s32 s1, s24  }
0xe: {  	s1 =	simm.s32 $0x1;
	s4 =	sadd.s32 $0x600, s4;
	[dreg:$0x7] =	wrdreg s3  }
0xf: {  	s21 =	simm.s32 $0x3200;
	s22 =	sadd.s32 $0x1000, s3;
	[dreg:$0x3] =	wrdreg s4  }
0x10: {  	s24 =	simm.s32 $0x4200;
	s23 =	sadd.s32 $0x2000, s3;
	[dreg:$0x4] =	wrdreg s22  }
0x11: {  	v2 =	vlaneseq.u32;
	s25 =	sadd.s32 $0x3000, s3;
	s5 =	smax.u32 s26, $0x1;
	[dreg:$0x5] =	wrdreg s23  }
0x12: {  	vm0 =	vmmov $0xffff;
	v1 =	vshrl.u32 v2, $0x3;
	s26 =	simm.s32 $0x5200;
	s4 =	sadd.s32 $0x80600, s0;
	[dreg:$0x6] =	wrdreg s25  }
0x13: {  	v0 =	vand.u32 $0x7, v2;
	v2 =	vor.u32 $0x8, v2;
	v1 =	vmul.u32 $0x8, v1;
	s22 =	simm.s32 $0x3A00;
	s25 =	simm.s32 $0x4A00;
	s23 =	simm.s32 $0x200  }
.LBB2_1:
0x14: {  	s16 =	rddreg [dreg:$0x3]  }
0x15: {  	[tilespmem:s2], [sflag:$0x3] =	stream.linear.gather [hbm4b:s16+s2], $0x200, $0x38;
	[tilespmem:$0x10200] =	vst v63  }
0x16: {  	_ =	swait.ge [sflag:s6], $0x200  }
0x17: {  	[sflag:s6] =	ssyncset.done $0x0  }
0x18: {  	[sflag:s6] =	ssyncadd.s32 $0xFFFFFE00  }
0x19: {  	v3 =	vld [tilespmem:$0x0];
	_ =	sdelay $0x4  }
0x1a: {  	v4 =	vshll.u32 v3, $0x1  }
0x1b: {  	v3 =	vand.u32 $0x7, v3;
	v4 =	vand.u32 $0xFFFFFFF0, v4  }
0x1c: {  	v3 =	vor.u32 v3, v4  }
0x1d: {  	v4 =	vperm.xlane v3, v0;
	_ =	sdelay $0x1  }
0x1e: {  	v3 =	vperm.xlane v3, v2;
	v4 =	vadd.s32 v1, v4;
	_ =	sdelay $0x1  }
0x1f: {  	v3 =	vadd.s32 v1, v3;
	_ =	sdelay $0x1  }
0x20: {  	s0 =	simm.s32 $0x200  }
0x21: {  	[tilespmem:s0], [sflag:$0x1] =	stream.indirect_vreg.gather [hbm4b:s4+s2], $0x80, v4, vm0, $0xb8;
	[tilespmem:$0x10200] =	vst v63  }
0x22: {  	s16 =	simm.s32 $0xA00  }
0x23: {  	[tilespmem:s16], [sflag:$0x1] =	stream.indirect_vreg.gather [hbm4b:s4+s2], $0x80, v3, vm0, $0xb8;
	[tilespmem:$0x10200] =	vst v63  }
0x24: {  	v3 =	vld [tilespmem:$0x10];
	_ =	sdelay $0x4  }
0x25: {  	v33 =	vshll.u32 v3, $0x1  }
0x26: {  	v3 =	vand.u32 $0x7, v3;
	v4 =	vand.u32 $0xFFFFFFF0, v33  }
0x27: {  	v3 =	vor.u32 v3, v4  }
0x28: {  	v4 =	vperm.xlane v3, v0;
	_ =	sdelay $0x1  }
0x29: {  	v3 =	vperm.xlane v3, v2;
	v4 =	vadd.s32 v1, v4;
	_ =	sdelay $0x1  }
0x2a: {  	v3 =	vadd.s32 v1, v3;
	_ =	sdelay $0x2  }
0x2b: {  	[tilespmem:s17], [sflag:$0x1] =	stream.indirect_vreg.gather [hbm4b:s4+s2], $0x80, v4, vm0, $0xb8;
	[tilespmem:$0x10200] =	vst v63  }
0x2c: {  	_ = 	snop  }
0x2d: {  	[tilespmem:s18], [sflag:$0x1] =	stream.indirect_vreg.gather [hbm4b:s4+s2], $0x80, v3, vm0, $0xb8;
	[tilespmem:$0x10200] =	vst v63  }
0x2e: {  	v3 =	vld [tilespmem:$0x20];
	_ =	sdelay $0x4  }
0x2f: {  	v34 =	vshll.u32 v3, $0x1  }
0x30: {  	v3 =	vand.u32 $0x7, v3;
	v4 =	vand.u32 $0xFFFFFFF0, v34  }
0x31: {  	v3 =	vor.u32 v3, v4  }
0x32: {  	v4 =	vperm.xlane v3, v0;
	_ =	sdelay $0x1  }
0x33: {  	v3 =	vperm.xlane v3, v2;
	v4 =	vadd.s32 v1, v4;
	_ =	sdelay $0x1  }
0x34: {  	v3 =	vadd.s32 v1, v3;
	_ =	sdelay $0x2  }
0x35: {  	[tilespmem:s19], [sflag:$0x1] =	stream.indirect_vreg.gather [hbm4b:s4+s2], $0x80, v4, vm0, $0xb8;
	[tilespmem:$0x10200] =	vst v63  }
0x36: {  	_ = 	snop  }
0x37: {  	[tilespmem:s20], [sflag:$0x1] =	stream.indirect_vreg.gather [hbm4b:s4+s2], $0x80, v3, vm0, $0xb8;
	[tilespmem:$0x10200] =	vst v63  }
0x38: {  	v3 =	vld [tilespmem:$0x30];
	_ =	sdelay $0x4  }
0x39: {  	v35 =	vshll.u32 v3, $0x1  }
0x3a: {  	v3 =	vand.u32 $0x7, v3;
	v4 =	vand.u32 $0xFFFFFFF0, v35  }
0x3b: {  	v3 =	vor.u32 v3, v4  }
0x3c: {  	v4 =	vperm.xlane v3, v0;
	_ =	sdelay $0x1  }
0x3d: {  	v3 =	vperm.xlane v3, v2;
	v4 =	vadd.s32 v1, v4;
	_ =	sdelay $0x1  }
0x3e: {  	v3 =	vadd.s32 v1, v3;
	_ =	sdelay $0x2  }
0x3f: {  	[tilespmem:s21], [sflag:$0x1] =	stream.indirect_vreg.gather [hbm4b:s4+s2], $0x80, v4, vm0, $0xb8;
	[tilespmem:$0x10200] =	vst v63  }
0x40: {  	_ = 	snop  }
0x41: {  	[tilespmem:s22], [sflag:$0x1] =	stream.indirect_vreg.gather [hbm4b:s4+s2], $0x80, v3, vm0, $0xb8;
	[tilespmem:$0x10200] =	vst v63  }
0x42: {  	v3 =	vld [tilespmem:$0x40];
	_ =	sdelay $0x4  }
0x43: {  	v36 =	vshll.u32 v3, $0x1  }
0x44: {  	v3 =	vand.u32 $0x7, v3;
	v4 =	vand.u32 $0xFFFFFFF0, v36  }
0x45: {  	v3 =	vor.u32 v3, v4  }
0x46: {  	v4 =	vperm.xlane v3, v0;
	_ =	sdelay $0x1  }
0x47: {  	v3 =	vperm.xlane v3, v2;
	v4 =	vadd.s32 v1, v4;
	_ =	sdelay $0x1  }
0x48: {  	v3 =	vadd.s32 v1, v3;
	_ =	sdelay $0x2  }
0x49: {  	[tilespmem:s24], [sflag:$0x1] =	stream.indirect_vreg.gather [hbm4b:s4+s2], $0x80, v4, vm0, $0xb8;
	[tilespmem:$0x10200] =	vst v63  }
0x4a: {  	_ = 	snop  }
0x4b: {  	[tilespmem:s25], [sflag:$0x1] =	stream.indirect_vreg.gather [hbm4b:s4+s2], $0x80, v3, vm0, $0xb8;
	[tilespmem:$0x10200] =	vst v63  }
0x4c: {  	v3 =	vld [tilespmem:$0x50];
	_ =	sdelay $0x4  }
0x4d: {  	v37 =	vshll.u32 v3, $0x1  }
0x4e: {  	v3 =	vand.u32 $0x7, v3;
	v4 =	vand.u32 $0xFFFFFFF0, v37  }
0x4f: {  	v3 =	vor.u32 v3, v4  }
0x50: {  	v4 =	vperm.xlane v3, v0;
	_ =	sdelay $0x1  }
0x51: {  	v3 =	vperm.xlane v3, v2;
	v4 =	vadd.s32 v1, v4;
	_ =	sdelay $0x1  }
0x52: {  	v3 =	vadd.s32 v1, v3;
	_ =	sdelay $0x2  }
0x53: {  	[tilespmem:s26], [sflag:$0x1] =	stream.indirect_vreg.gather [hbm4b:s4+s2], $0x80, v4, vm0, $0xb8;
	[tilespmem:$0x10200] =	vst v63  }
0x54: {  	_ = 	snop  }
0x55: {  	[tilespmem:s28], [sflag:$0x1] =	stream.indirect_vreg.gather [hbm4b:s4+s2], $0x80, v3, vm0, $0xb8;
	[tilespmem:$0x10200] =	vst v63  }
0x56: {  	v3 =	vld [tilespmem:$0x60];
	_ =	sdelay $0x4  }
0x57: {  	v38 =	vshll.u32 v3, $0x1  }
0x58: {  	v3 =	vand.u32 $0x7, v3;
	v4 =	vand.u32 $0xFFFFFFF0, v38  }
0x59: {  	v3 =	vor.u32 v3, v4  }
0x5a: {  	v4 =	vperm.xlane v3, v0;
	_ =	sdelay $0x1  }
0x5b: {  	v3 =	vperm.xlane v3, v2;
	v4 =	vadd.s32 v1, v4;
	_ =	sdelay $0x1  }
0x5c: {  	v3 =	vadd.s32 v1, v3;
	_ =	sdelay $0x2  }
0x5d: {  	[tilespmem:s29], [sflag:$0x1] =	stream.indirect_vreg.gather [hbm4b:s4+s2], $0x80, v4, vm0, $0xb8;
	[tilespmem:$0x10200] =	vst v63  }
0x5e: {  	_ = 	snop  }
0x5f: {  	[tilespmem:s30], [sflag:$0x1] =	stream.indirect_vreg.gather [hbm4b:s4+s2], $0x80, v3, vm0, $0xb8;
	[tilespmem:$0x10200] =	vst v63  }
0x60: {  	v3 =	vld [tilespmem:$0x70];
	_ =	sdelay $0x4  }
0x61: {  	v39 =	vshll.u32 v3, $0x1  }
0x62: {  	v3 =	vand.u32 $0x7, v3;
	v4 =	vand.u32 $0xFFFFFFF0, v39  }
0x63: {  	v3 =	vor.u32 v3, v4  }
0x64: {  	v4 =	vperm.xlane v3, v0;
	_ =	sdelay $0x1  }
0x65: {  	v3 =	vperm.xlane v3, v2;
	v4 =	vadd.s32 v1, v4;
	_ =	sdelay $0x1  }
0x66: {  	v3 =	vadd.s32 v1, v3;
	_ =	sdelay $0x2  }
0x67: {  	[tilespmem:s31], [sflag:$0x1] =	stream.indirect_vreg.gather [hbm4b:s4+s2], $0x80, v4, vm0, $0xb8;
	[tilespmem:$0x10200] =	vst v63  }
0x68: {  	s0 =	simm.s32 $0x7A00  }
0x69: {  	[tilespmem:s0], [sflag:$0x1] =	stream.indirect_vreg.gather [hbm4b:s4+s2], $0x80, v3, vm0, $0xb8;
	[tilespmem:$0x10200] =	vst v63  }
0x6a: {  	v3 =	vld [tilespmem:$0x80];
	_ =	sdelay $0x4  }
0x6b: {  	v40 =	vshll.u32 v3, $0x1  }
0x6c: {  	v3 =	vand.u32 $0x7, v3;
	v4 =	vand.u32 $0xFFFFFFF0, v40  }
0x6d: {  	v3 =	vor.u32 v3, v4  }
0x6e: {  	v4 =	vperm.xlane v3, v0;
	_ =	sdelay $0x1  }
0x6f: {  	v3 =	vperm.xlane v3, v2;
	v4 =	vadd.s32 v1, v4;
	_ =	sdelay $0x1  }
0x70: {  	v3 =	vadd.s32 v1, v3;
	_ =	sdelay $0x2  }
0x71: {  	[tilespmem:s14], [sflag:$0x2] =	stream.indirect_vreg.gather [hbm4b:s4+s2], $0x80, v4, vm0, $0xb8;
	[tilespmem:$0x10200] =	vst v63  }
0x72: {  	s3 =	simm.s32 $0x8A00  }
0x73: {  	[tilespmem:s3], [sflag:$0x2] =	stream.indirect_vreg.gather [hbm4b:s4+s2], $0x80, v3, vm0, $0xb8;
	[tilespmem:$0x10200] =	vst v63  }
0x74: {  	v3 =	vld [tilespmem:$0x90];
	_ =	sdelay $0x4  }
0x75: {  	v41 =	vshll.u32 v3, $0x1  }
0x76: {  	v3 =	vand.u32 $0x7, v3;
	v4 =	vand.u32 $0xFFFFFFF0, v41  }
0x77: {  	v3 =	vor.u32 v3, v4  }
0x78: {  	v4 =	vperm.xlane v3, v0;
	_ =	sdelay $0x1  }
0x79: {  	v3 =	vperm.xlane v3, v2;
	v4 =	vadd.s32 v1, v4;
	_ =	sdelay $0x1  }
0x7a: {  	v3 =	vadd.s32 v1, v3;
	_ =	sdelay $0x2  }
0x7b: {  	[tilespmem:s8], [sflag:$0x2] =	stream.indirect_vreg.gather [hbm4b:s4+s2], $0x80, v4, vm0, $0xb8;
	[tilespmem:$0x10200] =	vst v63  }
0x7c: {  	_ = 	snop  }
0x7d: {  	[tilespmem:s9], [sflag:$0x2] =	stream.indirect_vreg.gather [hbm4b:s4+s2], $0x80, v3, vm0, $0xb8;
	[tilespmem:$0x10200] =	vst v63  }
0x7e: {  	v3 =	vld [tilespmem:$0xA0];
	_ =	sdelay $0x4  }
0x7f: {  	v42 =	vshll.u32 v3, $0x1  }
0x80: {  	v3 =	vand.u32 $0x7, v3;
	v4 =	vand.u32 $0xFFFFFFF0, v42  }
0x81: {  	v3 =	vor.u32 v3, v4  }
0x82: {  	v4 =	vperm.xlane v3, v0;
	_ =	sdelay $0x1  }
0x83: {  	v3 =	vperm.xlane v3, v2;
	v4 =	vadd.s32 v1, v4;
	_ =	sdelay $0x1  }
0x84: {  	v3 =	vadd.s32 v1, v3;
	_ =	sdelay $0x2  }
0x85: {  	[tilespmem:s10], [sflag:$0x2] =	stream.indirect_vreg.gather [hbm4b:s4+s2], $0x80, v4, vm0, $0xb8;
	[tilespmem:$0x10200] =	vst v63  }
0x86: {  	s3 =	simm.s32 $0xAA00  }
0x87: {  	[tilespmem:s3], [sflag:$0x2] =	stream.indirect_vreg.gather [hbm4b:s4+s2], $0x80, v3, vm0, $0xb8;
	[tilespmem:$0x10200] =	vst v63  }
0x88: {  	v3 =	vld [tilespmem:$0xB0];
	_ =	sdelay $0x4  }
0x89: {  	v43 =	vshll.u32 v3, $0x1  }
0x8a: {  	v3 =	vand.u32 $0x7, v3;
	v4 =	vand.u32 $0xFFFFFFF0, v43  }
0x8b: {  	v3 =	vor.u32 v3, v4  }
0x8c: {  	v4 =	vperm.xlane v3, v0;
	_ =	sdelay $0x1  }
0x8d: {  	v3 =	vperm.xlane v3, v2;
	v4 =	vadd.s32 v1, v4;
	_ =	sdelay $0x1  }
0x8e: {  	v3 =	vadd.s32 v1, v3;
	_ =	sdelay $0x2  }
0x8f: {  	[tilespmem:s12], [sflag:$0x2] =	stream.indirect_vreg.gather [hbm4b:s4+s2], $0x80, v4, vm0, $0xb8;
	[tilespmem:$0x10200] =	vst v63  }
0x90: {  	_ = 	snop  }
0x91: {  	[tilespmem:s13], [sflag:$0x2] =	stream.indirect_vreg.gather [hbm4b:s4+s2], $0x80, v3, vm0, $0xb8;
	[tilespmem:$0x10200] =	vst v63  }
0x92: {  	v3 =	vld [tilespmem:$0xC0];
	_ =	sdelay $0x4  }
0x93: {  	v44 =	vshll.u32 v3, $0x1  }
0x94: {  	v3 =	vand.u32 $0x7, v3;
	v4 =	vand.u32 $0xFFFFFFF0, v44  }
0x95: {  	v3 =	vor.u32 v3, v4  }
0x96: {  	v4 =	vperm.xlane v3, v0;
	_ =	sdelay $0x1  }
0x97: {  	v3 =	vperm.xlane v3, v2;
	v4 =	vadd.s32 v1, v4;
	_ =	sdelay $0x1  }
0x98: {  	v3 =	vadd.s32 v1, v3;
	_ =	sdelay $0x2  }
0x99: {  	[tilespmem:s7], [sflag:$0x2] =	stream.indirect_vreg.gather [hbm4b:s4+s2], $0x80, v4, vm0, $0xb8;
	[tilespmem:$0x10200] =	vst v63  }
0x9a: {  	s11 =	simm.s32 $0xCA00  }
0x9b: {  	[tilespmem:s11], [sflag:$0x2] =	stream.indirect_vreg.gather [hbm4b:s4+s2], $0x80, v3, vm0, $0xb8;
	[tilespmem:$0x10200] =	vst v63  }
0x9c: {  	v3 =	vld [tilespmem:$0xD0];
	_ =	sdelay $0x4  }
0x9d: {  	v45 =	vshll.u32 v3, $0x1  }
0x9e: {  	v3 =	vand.u32 $0x7, v3;
	v4 =	vand.u32 $0xFFFFFFF0, v45  }
0x9f: {  	v3 =	vor.u32 v3, v4  }
0xa0: {  	v4 =	vperm.xlane v3, v0;
	_ =	sdelay $0x1  }
0xa1: {  	v3 =	vperm.xlane v3, v2;
	v4 =	vadd.s32 v1, v4;
	_ =	sdelay $0x1  }
0xa2: {  	v3 =	vadd.s32 v1, v3;
	_ =	sdelay $0x1  }
0xa3: {  	s11 =	simm.s32 $0xD200  }
0xa4: {  	[tilespmem:s11], [sflag:$0x2] =	stream.indirect_vreg.gather [hbm4b:s4+s2], $0x80, v4, vm0, $0xb8;
	[tilespmem:$0x10200] =	vst v63  }
0xa5: {  	s11 =	simm.s32 $0xDA00  }
0xa6: {  	[tilespmem:s11], [sflag:$0x2] =	stream.indirect_vreg.gather [hbm4b:s4+s2], $0x80, v3, vm0, $0xb8;
	[tilespmem:$0x10200] =	vst v63  }
0xa7: {  	v3 =	vld [tilespmem:$0xE0];
	_ =	sdelay $0x4  }
0xa8: {  	v46 =	vshll.u32 v3, $0x1  }
0xa9: {  	v3 =	vand.u32 $0x7, v3;
	v4 =	vand.u32 $0xFFFFFFF0, v46  }
0xaa: {  	v3 =	vor.u32 v3, v4  }
0xab: {  	v4 =	vperm.xlane v3, v0;
	_ =	sdelay $0x1  }
0xac: {  	v3 =	vperm.xlane v3, v2;
	v4 =	vadd.s32 v1, v4;
	_ =	sdelay $0x1  }
0xad: {  	v3 =	vadd.s32 v1, v3;
	_ =	sdelay $0x1  }
0xae: {  	s11 =	simm.s32 $0xE200  }
0xaf: {  	[tilespmem:s11], [sflag:$0x2] =	stream.indirect_vreg.gather [hbm4b:s4+s2], $0x80, v4, vm0, $0xb8;
	[tilespmem:$0x10200] =	vst v63  }
0xb0: {  	s11 =	simm.s32 $0xEA00  }
0xb1: {  	[tilespmem:s11], [sflag:$0x2] =	stream.indirect_vreg.gather [hbm4b:s4+s2], $0x80, v3, vm0, $0xb8;
	[tilespmem:$0x10200] =	vst v63  }
0xb2: {  	v3 =	vld [tilespmem:$0xF0];
	_ =	sdelay $0x4  }
0xb3: {  	v47 =	vshll.u32 v3, $0x1  }
0xb4: {  	v3 =	vand.u32 $0x7, v3;
	v4 =	vand.u32 $0xFFFFFFF0, v47  }
0xb5: {  	v3 =	vor.u32 v3, v4  }
0xb6: {  	v4 =	vperm.xlane v3, v0;
	_ =	sdelay $0x1  }
0xb7: {  	v3 =	vperm.xlane v3, v2;
	v4 =	vadd.s32 v1, v4;
	_ =	sdelay $0x1  }
0xb8: {  	v3 =	vadd.s32 v1, v3;
	_ =	sdelay $0x1  }
0xb9: {  	s11 =	simm.s32 $0xF200  }
0xba: {  	[tilespmem:s11], [sflag:$0x2] =	stream.indirect_vreg.gather [hbm4b:s4+s2], $0x80, v4, vm0, $0xb8;
	[tilespmem:$0x10200] =	vst v63  }
0xbb: {  	s11 =	simm.s32 $0xFA00  }
0xbc: {  	[tilespmem:s11], [sflag:$0x2] =	stream.indirect_vreg.gather [hbm4b:s4+s2], $0x80, v3, vm0, $0xb8;
	[tilespmem:$0x10200] =	vst v63  }
0xbd: {  	_ =	swait.ge [sflag:s1], $0x8000  }
0xbe: {  	[sflag:s1] =	ssyncset.done $0x0  }
0xbf: {  	s11 =	rddreg [dreg:$0x7];
	[sflag:s1] =	ssyncadd.s32 $0xFFFF8000  }
0xc0: {  	[hbm4b:s11+s2] =	stream.linear.scatter [tilespmem:s23], [sflag:$0x3], $0x8000, $0x38;
	[tilespmem:$0x10200] =	vst v63  }
0xc1: {  	_ =	swait.ge [sflag:s6], $0x8000  }
0xc2: {  	[sflag:s6] =	ssyncset.done $0x0  }
0xc3: {  	[sflag:s6] =	ssyncadd.s32 $0xFFFF8000  }
0xc4: {  	v3 =	vld [tilespmem:$0x100];
	_ =	sdelay $0x4  }
0xc5: {  	v48 =	vshll.u32 v3, $0x1  }
0xc6: {  	v3 =	vand.u32 $0x7, v3;
	v4 =	vand.u32 $0xFFFFFFF0, v48  }
0xc7: {  	v3 =	vor.u32 v3, v4  }
0xc8: {  	v4 =	vperm.xlane v3, v0;
	_ =	sdelay $0x1  }
0xc9: {  	v3 =	vperm.xlane v3, v2;
	v4 =	vadd.s32 v1, v4;
	_ =	sdelay $0x1  }
0xca: {  	v3 =	vadd.s32 v1, v3;
	_ =	sdelay $0x2  }
0xcb: {  	[tilespmem:s23], [sflag:$0x1] =	stream.indirect_vreg.gather [hbm4b:s4+s2], $0x80, v4, vm0, $0xb8;
	[tilespmem:$0x10200] =	vst v63  }
0xcc: {  	_ = 	snop  }
0xcd: {  	[tilespmem:s16], [sflag:$0x1] =	stream.indirect_vreg.gather [hbm4b:s4+s2], $0x80, v3, vm0, $0xb8;
	[tilespmem:$0x10200] =	vst v63  }
0xce: {  	v3 =	vld [tilespmem:$0x110];
	_ =	sdelay $0x4  }
0xcf: {  	v49 =	vshll.u32 v3, $0x1  }
0xd0: {  	v3 =	vand.u32 $0x7, v3;
	v4 =	vand.u32 $0xFFFFFFF0, v49  }
0xd1: {  	v3 =	vor.u32 v3, v4  }
0xd2: {  	v4 =	vperm.xlane v3, v0;
	_ =	sdelay $0x1  }
0xd3: {  	v3 =	vperm.xlane v3, v2;
	v4 =	vadd.s32 v1, v4;
	_ =	sdelay $0x1  }
0xd4: {  	v3 =	vadd.s32 v1, v3;
	_ =	sdelay $0x2  }
0xd5: {  	[tilespmem:s17], [sflag:$0x1] =	stream.indirect_vreg.gather [hbm4b:s4+s2], $0x80, v4, vm0, $0xb8;
	[tilespmem:$0x10200] =	vst v63  }
0xd6: {  	_ = 	snop  }
0xd7: {  	[tilespmem:s18], [sflag:$0x1] =	stream.indirect_vreg.gather [hbm4b:s4+s2], $0x80, v3, vm0, $0xb8;
	[tilespmem:$0x10200] =	vst v63  }
0xd8: {  	v3 =	vld [tilespmem:$0x120];
	_ =	sdelay $0x4  }
0xd9: {  	v50 =	vshll.u32 v3, $0x1  }
0xda: {  	v3 =	vand.u32 $0x7, v3;
	v4 =	vand.u32 $0xFFFFFFF0, v50  }
0xdb: {  	v3 =	vor.u32 v3, v4  }
0xdc: {  	v4 =	vperm.xlane v3, v0;
	_ =	sdelay $0x1  }
0xdd: {  	v3 =	vperm.xlane v3, v2;
	v4 =	vadd.s32 v1, v4;
	_ =	sdelay $0x1  }
0xde: {  	v3 =	vadd.s32 v1, v3;
	_ =	sdelay $0x2  }
0xdf: {  	[tilespmem:s19], [sflag:$0x1] =	stream.indirect_vreg.gather [hbm4b:s4+s2], $0x80, v4, vm0, $0xb8;
	[tilespmem:$0x10200] =	vst v63  }
0xe0: {  	_ = 	snop  }
0xe1: {  	[tilespmem:s20], [sflag:$0x1] =	stream.indirect_vreg.gather [hbm4b:s4+s2], $0x80, v3, vm0, $0xb8;
	[tilespmem:$0x10200] =	vst v63  }
0xe2: {  	v3 =	vld [tilespmem:$0x130];
	_ =	sdelay $0x4  }
0xe3: {  	v51 =	vshll.u32 v3, $0x1  }
0xe4: {  	v3 =	vand.u32 $0x7, v3;
	v4 =	vand.u32 $0xFFFFFFF0, v51  }
0xe5: {  	v3 =	vor.u32 v3, v4  }
0xe6: {  	v4 =	vperm.xlane v3, v0;
	_ =	sdelay $0x1  }
0xe7: {  	v3 =	vperm.xlane v3, v2;
	v4 =	vadd.s32 v1, v4;
	_ =	sdelay $0x1  }
0xe8: {  	v3 =	vadd.s32 v1, v3;
	_ =	sdelay $0x2  }
0xe9: {  	[tilespmem:s21], [sflag:$0x1] =	stream.indirect_vreg.gather [hbm4b:s4+s2], $0x80, v4, vm0, $0xb8;
	[tilespmem:$0x10200] =	vst v63  }
0xea: {  	_ = 	snop  }
0xeb: {  	[tilespmem:s22], [sflag:$0x1] =	stream.indirect_vreg.gather [hbm4b:s4+s2], $0x80, v3, vm0, $0xb8;
	[tilespmem:$0x10200] =	vst v63  }
0xec: {  	v3 =	vld [tilespmem:$0x140];
	_ =	sdelay $0x4  }
0xed: {  	v52 =	vshll.u32 v3, $0x1  }
0xee: {  	v3 =	vand.u32 $0x7, v3;
	v4 =	vand.u32 $0xFFFFFFF0, v52  }
0xef: {  	v3 =	vor.u32 v3, v4  }
0xf0: {  	v4 =	vperm.xlane v3, v0;
	_ =	sdelay $0x1  }
0xf1: {  	v3 =	vperm.xlane v3, v2;
	v4 =	vadd.s32 v1, v4;
	_ =	sdelay $0x1  }
0xf2: {  	v3 =	vadd.s32 v1, v3;
	_ =	sdelay $0x2  }
0xf3: {  	[tilespmem:s24], [sflag:$0x1] =	stream.indirect_vreg.gather [hbm4b:s4+s2], $0x80, v4, vm0, $0xb8;
	[tilespmem:$0x10200] =	vst v63  }
0xf4: {  	_ = 	snop  }
0xf5: {  	[tilespmem:s25], [sflag:$0x1] =	stream.indirect_vreg.gather [hbm4b:s4+s2], $0x80, v3, vm0, $0xb8;
	[tilespmem:$0x10200] =	vst v63  }
0xf6: {  	v3 =	vld [tilespmem:$0x150];
	_ =	sdelay $0x4  }
0xf7: {  	v53 =	vshll.u32 v3, $0x1  }
0xf8: {  	v3 =	vand.u32 $0x7, v3;
	v4 =	vand.u32 $0xFFFFFFF0, v53  }
0xf9: {  	v3 =	vor.u32 v3, v4  }
0xfa: {  	v4 =	vperm.xlane v3, v0;
	_ =	sdelay $0x1  }
0xfb: {  	v3 =	vperm.xlane v3, v2;
	v4 =	vadd.s32 v1, v4;
	_ =	sdelay $0x1  }
0xfc: {  	v3 =	vadd.s32 v1, v3;
	_ =	sdelay $0x2  }
0xfd: {  	[tilespmem:s26], [sflag:$0x1] =	stream.indirect_vreg.gather [hbm4b:s4+s2], $0x80, v4, vm0, $0xb8;
	[tilespmem:$0x10200] =	vst v63  }
0xfe: {  	_ = 	snop  }
0xff: {  	[tilespmem:s28], [sflag:$0x1] =	stream.indirect_vreg.gather [hbm4b:s4+s2], $0x80, v3, vm0, $0xb8;
	[tilespmem:$0x10200] =	vst v63  }
0x100: {  	v3 =	vld [tilespmem:$0x160];
	_ =	sdelay $0x4  }
0x101: {  	v54 =	vshll.u32 v3, $0x1  }
0x102: {  	v3 =	vand.u32 $0x7, v3;
	v4 =	vand.u32 $0xFFFFFFF0, v54  }
0x103: {  	v3 =	vor.u32 v3, v4  }
0x104: {  	v4 =	vperm.xlane v3, v0;
	_ =	sdelay $0x1  }
0x105: {  	v3 =	vperm.xlane v3, v2;
	v4 =	vadd.s32 v1, v4;
	_ =	sdelay $0x1  }
0x106: {  	v3 =	vadd.s32 v1, v3;
	_ =	sdelay $0x2  }
0x107: {  	[tilespmem:s29], [sflag:$0x1] =	stream.indirect_vreg.gather [hbm4b:s4+s2], $0x80, v4, vm0, $0xb8;
	[tilespmem:$0x10200] =	vst v63  }
0x108: {  	_ = 	snop  }
0x109: {  	[tilespmem:s30], [sflag:$0x1] =	stream.indirect_vreg.gather [hbm4b:s4+s2], $0x80, v3, vm0, $0xb8;
	[tilespmem:$0x10200] =	vst v63  }
0x10a: {  	v3 =	vld [tilespmem:$0x170];
	_ =	sdelay $0x4  }
0x10b: {  	v55 =	vshll.u32 v3, $0x1  }
0x10c: {  	v3 =	vand.u32 $0x7, v3;
	v4 =	vand.u32 $0xFFFFFFF0, v55  }
0x10d: {  	v3 =	vor.u32 v3, v4  }
0x10e: {  	v4 =	vperm.xlane v3, v0;
	_ =	sdelay $0x1  }
0x10f: {  	v3 =	vperm.xlane v3, v2;
	v4 =	vadd.s32 v1, v4;
	_ =	sdelay $0x1  }
0x110: {  	v3 =	vadd.s32 v1, v3;
	_ =	sdelay $0x2  }
0x111: {  	[tilespmem:s31], [sflag:$0x1] =	stream.indirect_vreg.gather [hbm4b:s4+s2], $0x80, v4, vm0, $0xb8;
	[tilespmem:$0x10200] =	vst v63  }
0x112: {  	_ = 	snop  }
0x113: {  	[tilespmem:s0], [sflag:$0x1] =	stream.indirect_vreg.gather [hbm4b:s4+s2], $0x80, v3, vm0, $0xb8;
	[tilespmem:$0x10200] =	vst v63  }
0x114: {  	_ =	swait.ge [sflag:s15], $0x8000  }
0x115: {  	[sflag:s15] =	ssyncset.done $0x0  }
0x116: {  	s0 =	rddreg [dreg:$0x4];
	[sflag:s15] =	ssyncadd.s32 $0xFFFF8000  }
0x117: {  	[hbm4b:s0+s2] =	stream.linear.scatter [tilespmem:s14], [sflag:$0x3], $0x8000, $0x38;
	[tilespmem:$0x10200] =	vst v63  }
0x118: {  	_ =	swait.ge [sflag:s6], $0x8000  }
0x119: {  	[sflag:s6] =	ssyncset.done $0x0  }
0x11a: {  	[sflag:s6] =	ssyncadd.s32 $0xFFFF8000  }
0x11b: {  	v3 =	vld [tilespmem:$0x180];
	_ =	sdelay $0x4  }
0x11c: {  	v56 =	vshll.u32 v3, $0x1  }
0x11d: {  	v3 =	vand.u32 $0x7, v3;
	v4 =	vand.u32 $0xFFFFFFF0, v56  }
0x11e: {  	v3 =	vor.u32 v3, v4  }
0x11f: {  	v4 =	vperm.xlane v3, v0;
	_ =	sdelay $0x1  }
0x120: {  	v3 =	vperm.xlane v3, v2;
	v4 =	vadd.s32 v1, v4;
	_ =	sdelay $0x1  }
0x121: {  	v3 =	vadd.s32 v1, v3;
	_ =	sdelay $0x2  }
0x122: {  	[tilespmem:s14], [sflag:$0x2] =	stream.indirect_vreg.gather [hbm4b:s4+s2], $0x80, v4, vm0, $0xb8;
	[tilespmem:$0x10200] =	vst v63  }
0x123: {  	s16 =	simm.s32 $0x8A00  }
0x124: {  	[tilespmem:s16], [sflag:$0x2] =	stream.indirect_vreg.gather [hbm4b:s4+s2], $0x80, v3, vm0, $0xb8;
	[tilespmem:$0x10200] =	vst v63  }
0x125: {  	v3 =	vld [tilespmem:$0x190];
	_ =	sdelay $0x4  }
0x126: {  	v57 =	vshll.u32 v3, $0x1  }
0x127: {  	v3 =	vand.u32 $0x7, v3;
	v4 =	vand.u32 $0xFFFFFFF0, v57  }
0x128: {  	v3 =	vor.u32 v3, v4  }
0x129: {  	v4 =	vperm.xlane v3, v0;
	_ =	sdelay $0x1  }
0x12a: {  	v3 =	vperm.xlane v3, v2;
	v4 =	vadd.s32 v1, v4;
	_ =	sdelay $0x1  }
0x12b: {  	v3 =	vadd.s32 v1, v3;
	_ =	sdelay $0x2  }
0x12c: {  	[tilespmem:s8], [sflag:$0x2] =	stream.indirect_vreg.gather [hbm4b:s4+s2], $0x80, v4, vm0, $0xb8;
	[tilespmem:$0x10200] =	vst v63  }
0x12d: {  	_ = 	snop  }
0x12e: {  	[tilespmem:s9], [sflag:$0x2] =	stream.indirect_vreg.gather [hbm4b:s4+s2], $0x80, v3, vm0, $0xb8;
	[tilespmem:$0x10200] =	vst v63  }
0x12f: {  	v3 =	vld [tilespmem:$0x1A0];
	_ =	sdelay $0x4  }
0x130: {  	v58 =	vshll.u32 v3, $0x1  }
0x131: {  	v3 =	vand.u32 $0x7, v3;
	v4 =	vand.u32 $0xFFFFFFF0, v58  }
0x132: {  	v3 =	vor.u32 v3, v4  }
0x133: {  	v4 =	vperm.xlane v3, v0;
	_ =	sdelay $0x1  }
0x134: {  	v3 =	vperm.xlane v3, v2;
	v4 =	vadd.s32 v1, v4;
	_ =	sdelay $0x1  }
0x135: {  	v3 =	vadd.s32 v1, v3;
	_ =	sdelay $0x2  }
0x136: {  	[tilespmem:s10], [sflag:$0x2] =	stream.indirect_vreg.gather [hbm4b:s4+s2], $0x80, v4, vm0, $0xb8;
	[tilespmem:$0x10200] =	vst v63  }
0x137: {  	_ = 	snop  }
0x138: {  	[tilespmem:s3], [sflag:$0x2] =	stream.indirect_vreg.gather [hbm4b:s4+s2], $0x80, v3, vm0, $0xb8;
	[tilespmem:$0x10200] =	vst v63  }
0x139: {  	v3 =	vld [tilespmem:$0x1B0];
	_ =	sdelay $0x4  }
0x13a: {  	v59 =	vshll.u32 v3, $0x1  }
0x13b: {  	v3 =	vand.u32 $0x7, v3;
	v4 =	vand.u32 $0xFFFFFFF0, v59  }
0x13c: {  	v3 =	vor.u32 v3, v4  }
0x13d: {  	v4 =	vperm.xlane v3, v0;
	_ =	sdelay $0x1  }
0x13e: {  	v3 =	vperm.xlane v3, v2;
	v4 =	vadd.s32 v1, v4;
	_ =	sdelay $0x1  }
0x13f: {  	v3 =	vadd.s32 v1, v3;
	_ =	sdelay $0x2  }
0x140: {  	[tilespmem:s12], [sflag:$0x2] =	stream.indirect_vreg.gather [hbm4b:s4+s2], $0x80, v4, vm0, $0xb8;
	[tilespmem:$0x10200] =	vst v63  }
0x141: {  	_ = 	snop  }
0x142: {  	[tilespmem:s13], [sflag:$0x2] =	stream.indirect_vreg.gather [hbm4b:s4+s2], $0x80, v3, vm0, $0xb8;
	[tilespmem:$0x10200] =	vst v63  }
0x143: {  	v3 =	vld [tilespmem:$0x1C0];
	_ =	sdelay $0x4  }
0x144: {  	v60 =	vshll.u32 v3, $0x1  }
0x145: {  	v3 =	vand.u32 $0x7, v3;
	v4 =	vand.u32 $0xFFFFFFF0, v60  }
0x146: {  	v3 =	vor.u32 v3, v4  }
0x147: {  	v4 =	vperm.xlane v3, v0;
	_ =	sdelay $0x1  }
0x148: {  	v3 =	vperm.xlane v3, v2;
	v4 =	vadd.s32 v1, v4;
	_ =	sdelay $0x1  }
0x149: {  	v3 =	vadd.s32 v1, v3;
	_ =	sdelay $0x2  }
0x14a: {  	[tilespmem:s7], [sflag:$0x2] =	stream.indirect_vreg.gather [hbm4b:s4+s2], $0x80, v4, vm0, $0xb8;
	[tilespmem:$0x10200] =	vst v63  }
0x14b: {  	s16 =	simm.s32 $0xCA00  }
0x14c: {  	[tilespmem:s16], [sflag:$0x2] =	stream.indirect_vreg.gather [hbm4b:s4+s2], $0x80, v3, vm0, $0xb8;
	[tilespmem:$0x10200] =	vst v63  }
0x14d: {  	v3 =	vld [tilespmem:$0x1D0];
	_ =	sdelay $0x4  }
0x14e: {  	v61 =	vshll.u32 v3, $0x1  }
0x14f: {  	v3 =	vand.u32 $0x7, v3;
	v4 =	vand.u32 $0xFFFFFFF0, v61  }
0x150: {  	v3 =	vor.u32 v3, v4  }
0x151: {  	v4 =	vperm.xlane v3, v0;
	_ =	sdelay $0x1  }
0x152: {  	v3 =	vperm.xlane v3, v2;
	v4 =	vadd.s32 v1, v4;
	_ =	sdelay $0x1  }
0x153: {  	v3 =	vadd.s32 v1, v3;
	_ =	sdelay $0x1  }
0x154: {  	s3 =	simm.s32 $0xD200  }
0x155: {  	[tilespmem:s3], [sflag:$0x2] =	stream.indirect_vreg.gather [hbm4b:s4+s2], $0x80, v4, vm0, $0xb8;
	[tilespmem:$0x10200] =	vst v63  }
0x156: {  	s16 =	simm.s32 $0xDA00  }
0x157: {  	[tilespmem:s16], [sflag:$0x2] =	stream.indirect_vreg.gather [hbm4b:s4+s2], $0x80, v3, vm0, $0xb8;
	[tilespmem:$0x10200] =	vst v63  }
0x158: {  	v3 =	vld [tilespmem:$0x1E0];
	_ =	sdelay $0x4  }
0x159: {  	v62 =	vshll.u32 v3, $0x1  }
0x15a: {  	v3 =	vand.u32 $0x7, v3;
	v4 =	vand.u32 $0xFFFFFFF0, v62  }
0x15b: {  	v3 =	vor.u32 v3, v4  }
0x15c: {  	v4 =	vperm.xlane v3, v0;
	_ =	sdelay $0x1  }
0x15d: {  	v3 =	vperm.xlane v3, v2;
	v4 =	vadd.s32 v1, v4;
	_ =	sdelay $0x1  }
0x15e: {  	v3 =	vadd.s32 v1, v3;
	_ =	sdelay $0x1  }
0x15f: {  	s3 =	simm.s32 $0xE200  }
0x160: {  	[tilespmem:s3], [sflag:$0x2] =	stream.indirect_vreg.gather [hbm4b:s4+s2], $0x80, v4, vm0, $0xb8;
	[tilespmem:$0x10200] =	vst v63  }
0x161: {  	s16 =	simm.s32 $0xEA00  }
0x162: {  	[tilespmem:s16], [sflag:$0x2] =	stream.indirect_vreg.gather [hbm4b:s4+s2], $0x80, v3, vm0, $0xb8;
	[tilespmem:$0x10200] =	vst v63  }
0x163: {  	v3 =	vld [tilespmem:$0x1F0];
	_ =	sdelay $0x4  }
0x164: {  	v63 =	vshll.u32 v3, $0x1  }
0x165: {  	v3 =	vand.u32 $0x7, v3;
	v4 =	vand.u32 $0xFFFFFFF0, v63  }
0x166: {  	v3 =	vor.u32 v3, v4  }
0x167: {  	v4 =	vperm.xlane v3, v0;
	_ =	sdelay $0x1  }
0x168: {  	v3 =	vperm.xlane v3, v2;
	v4 =	vadd.s32 v1, v4;
	_ =	sdelay $0x1  }
0x169: {  	v3 =	vadd.s32 v1, v3;
	_ =	sdelay $0x1  }
0x16a: {  	s3 =	simm.s32 $0xF200  }
0x16b: {  	[tilespmem:s3], [sflag:$0x2] =	stream.indirect_vreg.gather [hbm4b:s4+s2], $0x80, v4, vm0, $0xb8;
	[tilespmem:$0x10200] =	vst v63  }
0x16c: {  	s16 =	simm.s32 $0xFA00  }
0x16d: {  	[tilespmem:s16], [sflag:$0x2] =	stream.indirect_vreg.gather [hbm4b:s4+s2], $0x80, v3, vm0, $0xb8;
	[tilespmem:$0x10200] =	vst v63  }
0x16e: {  	_ =	swait.ge [sflag:s1], $0x8000  }
0x16f: {  	[sflag:s1] =	ssyncset.done $0x0  }
0x170: {  	s11 =	simm.s32 $0x200;
	s3 =	rddreg [dreg:$0x5];
	[sflag:s1] =	ssyncadd.s32 $0xFFFF8000  }
0x171: {  	[hbm4b:s3+s2] =	stream.linear.scatter [tilespmem:s11], [sflag:$0x3], $0x8000, $0x38;
	[tilespmem:$0x10200] =	vst v63  }
0x172: {  	_ =	swait.ge [sflag:s6], $0x8000  }
0x173: {  	[sflag:s6] =	ssyncset.done $0x0  }
0x174: {  	[sflag:s6] =	ssyncadd.s32 $0xFFFF8000  }
0x175: {  	_ =	swait.ge [sflag:s15], $0x8000  }
0x176: {  	p0 =	sne.s32 s5, $0x1;
	[sflag:s15] =	ssyncset.done $0x0  }
.Ltmp0:
0x177: {  	s11 =	rddreg [dreg:$0x6];
	[sflag:s15] =	ssyncadd.s32 $0xFFFF8000;
	(pc) =	sbr.rel @p0 .LBB2_1-.Ltmp0, $4  }
0x178: {  	[hbm4b:s11+s2] =	stream.linear.scatter [tilespmem:s14], [sflag:$0x3], $0x8000, $0x38;
	[tilespmem:$0x10200] =	vst v63  }
0x179: {  	_ =	swait.ge [sflag:s6], $0x8000  }
0x17a: {  	[sflag:s6] =	ssyncset.done $0x0  }
0x17b: {  	s5 =	sadd.s32 $0xFFFFFFFF, s5;
	[sflag:s6] =	ssyncadd.s32 $0xFFFF8000  }
0x17c: {  	_ =	sfence.sel $0x180000  }
0x17d: {  	[bflag:$0x0] =	sbarrier.arrive $0xFFFF  }
0x17e: {  	_ =	strace $0x90000047  }
0x17f: {  	s0 =	stileid.u32;
	[bflag:$0x2] =	sbarrier.arrive $0xFFFF  }
0x180: {  	p0 =	sne.s32 s0, $0x0;
	s0 =	rddreg [dreg:$0x2]  }
0x181: {  	s0 =	sadd.s32 @!p0 $0x100000, s0  }
0x182: {  	[sflag:s0] =	ssyncadd.tile.s32 @!p0 $0x1;
	_ =	shalt  }
.Lfunc_end2:
_tile_overlayer_lowered:
.L_overlay_start_2:
0x183: {  	(tag) =	ssettag $0x2  }
0x184: {  	s0 =	rddreg [dreg:$0x0];
	s2 =	stileid.u32  }
0x185: {  	s1 =	rddreg [dreg:$0x1];
	p0 =	sne.s32 s2, $0x0  }
0x186: {  	s3 =	rddreg [dreg:$0x2];
	[bflag:$0x3] =	sbarrier.arrive $0xFFFF;
	s2 =	simm.s32 @!p0 $0x1C03  }
0x187: {  	[timem:s3], [sflag:s2] =	dma.local @!p0 [hbm:s0], s1  }
0x188: {  	s0 =	simm.s32 @!p0 $0x3  }
0x189: {  	_ =	swait.ge @!p0 [sflag:s0], s1  }
0x18a: {  	s1 =	ssub.s32 @!p0 $0x0, s1;
	[sflag:s0] =	ssyncset.done @!p0 $0x0  }
0x18b: {  	[sflag:s0] =	ssyncadd.s32 @!p0 s1  }
0x18c: {  	[bflag:$0x3] =	sbarrier.arrive $0xFFFF  }
0x18d: {  	_ =	shalt  }

</sc_bundles>
